<compile_context>
chip_gen: v7x
topology: tpu7x:2x2x1
jax: 0.10.2.dev20260603
libtpu: 0.0.44.dev20260713+nightly
codegen_flags: <defaults>
</compile_context>

<pallas_src>
import functools

import jax
import jax.numpy as jnp
from jax.experimental import pallas as pl
from jax.experimental.pallas import tpu as pltpu
from jax.experimental.pallas import tpu_sc as plsc

_N = 8192
_P = 256
_RADIUS2 = 2500.0
_INV_2SIG2 = 1.0 / (2.0 * 25.0 * 25.0)
_YGAP = 51.5

_B = 512
_BJ = 1024
_NB = _N // _B
_NBJ = _N // _BJ
_NB2 = _NB * _NBJ


def _gather_rows(table, idx):
    info = plsc.get_sparse_core_info()
    nw = info.num_cores * info.num_subcores
    b_per_w = _N // nw
    mesh = plsc.VectorSubcoreMesh(core_axis_name="c", subcore_axis_name="s")

    @functools.partial(
        pl.kernel, mesh=mesh,
        out_type=jax.ShapeDtypeStruct((_N, _P), jnp.float32),
        scratch_types=[
            pltpu.VMEM((b_per_w,), jnp.int32),
            pltpu.VMEM((b_per_w, _P), jnp.float32),
            pltpu.SemaphoreType.DMA,
        ],
    )
    def k(table_hbm, idx_hbm, out_hbm, idx_v, rows_v, sem):
        wid = jax.lax.axis_index("s") * info.num_cores + jax.lax.axis_index("c")
        base = wid * b_per_w
        pltpu.sync_copy(idx_hbm.at[pl.ds(base, b_per_w)], idx_v)
        pltpu.async_copy(table_hbm.at[idx_v], rows_v, sem).wait()
        pltpu.sync_copy(rows_v, out_hbm.at[pl.ds(base, b_per_w)])

    return k(table, idx)


def _loss_kernel(cnt_ref, bi_ref, bj_ref,
                 ci_ref, pi_ref, cj_ref, pj_ref, out_ref,
                 q_acc, w2_acc):
    g = pl.program_id(0)
    cnt = cnt_ref[0]
    i = bi_ref[g]
    start = jnp.logical_or(g == 0, bi_ref[jnp.maximum(g - 1, 0)] != i)
    end = jnp.logical_or(g == cnt - 1,
                         bi_ref[jnp.minimum(g + 1, _NB2 - 1)] != i)

    @pl.when(g == 0)
    def _zero_out():
        out_ref[...] = jnp.zeros((1, 1), jnp.float32)

    @pl.when(start)
    def _init():
        q_acc[...] = jnp.zeros_like(q_acc)
        w2_acc[...] = jnp.zeros_like(w2_acc)

    ci = ci_ref[...]
    cj = cj_ref[...]
    c2i = jnp.sum(ci * ci, axis=1, keepdims=True)
    c2j = jnp.sum(cj * cj, axis=1)
    dot = jax.lax.dot_general(
        ci, cj, (((1,), (1,)), ((), ())),
        preferred_element_type=jnp.float32)
    d2 = c2i + c2j[None, :] - 2.0 * dot
    mask = (d2 > 0.0) & (d2 <= _RADIUS2)
    w = jnp.where(mask, jnp.exp(-d2 * _INV_2SIG2), 0.0)

    pj = pj_ref[...]
    p2j = jnp.sum(pj * pj, axis=1, keepdims=True)
    q_acc[...] += jax.lax.dot_general(
        w, pj, (((1,), (0,)), ((), ())),
        preferred_element_type=jnp.float32)
    m2 = jnp.concatenate([p2j, jnp.ones_like(p2j)], axis=1)
    w2_acc[...] += jax.lax.dot_general(
        w, m2, (((1,), (0,)), ((), ())),
        preferred_element_type=jnp.float32)

    @pl.when(end)
    def _finalize():
        pi = pi_ref[...]
        p2i = jnp.sum(pi * pi, axis=1, keepdims=True)
        pq = jnp.sum(pi * q_acc[...], axis=1, keepdims=True)
        wsum = w2_acc[:, 1:2]
        num = p2i * wsum + w2_acc[:, 0:1] - 2.0 * pq
        denom = jnp.where(wsum > 0.0, wsum, 1.0)
        contrib = jnp.sum(num / denom)
        out_ref[...] += jnp.full((1, 1), contrib, jnp.float32)


def kernel(coords, identity_probs):
    q = jnp.clip((coords[:, 1] * (262144.0 / 1000.0)).astype(jnp.int32),
                 0, 262143)
    key = jnp.sort((q << 13) | jnp.arange(_N, dtype=jnp.int32))
    perm = key & 8191
    cs = jnp.take(coords, perm, axis=0)
    ps = _gather_rows(identity_probs, perm)

    qf = (key >> 13).astype(jnp.float32) * (1000.0 / 262144.0)
    qi = qf.reshape(_NB, _B)
    qj = qf.reshape(_NBJ, _BJ)
    ylo_i = qi[:, 0]
    yhi_i = qi[:, -1] + (1000.0 / 262144.0)
    ylo_j = qj[:, 0]
    yhi_j = qj[:, -1] + (1000.0 / 262144.0)
    gap = jnp.maximum(ylo_j[None, :] - yhi_i[:, None],
                      ylo_i[:, None] - yhi_j[None, :])
    active = (gap <= _YGAP).reshape(-1)
    acti = active.astype(jnp.int32)
    pos = jnp.cumsum(acti)
    count = pos[-1]
    cnt = count.reshape(1)
    r = jnp.arange(_NB2, dtype=jnp.int32)
    scat = jnp.where(active, pos - 1, _NB2)
    order = jnp.zeros((_NB2,), jnp.int32).at[scat].set(r, mode="drop")
    order = jnp.where(r < count, order, order[count - 1])
    bi = order // _NBJ
    bj = order % _NBJ

    grid_spec = pltpu.PrefetchScalarGridSpec(
        num_scalar_prefetch=3,
        grid=(count,),
        in_specs=[
            pl.BlockSpec((_B, 2), lambda g, c, bi, bj: (bi[g], 0)),
            pl.BlockSpec((_B, _P), lambda g, c, bi, bj: (bi[g], 0)),
            pl.BlockSpec((_BJ, 2), lambda g, c, bi, bj: (bj[g], 0)),
            pl.BlockSpec((_BJ, _P), lambda g, c, bi, bj: (bj[g], 0)),
        ],
        out_specs=pl.BlockSpec((1, 1), lambda g, c, bi, bj: (0, 0)),
        scratch_shapes=[
            pltpu.VMEM((_B, _P), jnp.float32),
            pltpu.VMEM((_B, 2), jnp.float32),
        ],
    )
    out = pl.pallas_call(
        _loss_kernel,
        grid_spec=grid_spec,
        out_shape=jax.ShapeDtypeStruct((1, 1), jnp.float32),
    )(cnt, bi, bj, cs, ps, cs, ps)
    return out[0, 0] / _N

# --- scband reference (transcript-rebuilt; emitter-appended) ---
"""Pipeline reference for scband-spatial-constraint-3307124818456 (READ-ONLY COPY).

The authoritative reference and input builder live on the scoring server;
editing this copy changes nothing except your own understanding.
"""

import jax, jax.numpy as jnp
import numpy as np

N = 8192
P = 256
RADIUS = 50.0
SIGMA = 25.0
EXTENT = 1000.0


def setup_inputs(seed: int = 0) -> dict:
    key = jax.random.key(seed)
    k1, k2 = jax.random.split(key)
    # spatial coordinates of spots, uniform over a 1000x1000 unit slide
    coords = jax.random.uniform(k1, (N, 2), dtype=jnp.float32) * EXTENT
    # soft identity probabilities per spot (rows sum to 1, as in the torch usage)
    logits = jax.random.normal(k2, (N, P), dtype=jnp.float32)
    identity_probs = jax.nn.softmax(logits, axis=-1)
    return {"coords": coords, "identity_probs": identity_probs}


def _build_weights(coords):
    # pairwise euclidean distances (equivalent to torch.cdist(coords, coords, p=2))
    c2 = jnp.sum(coords * coords, axis=1)
    d2 = c2[:, None] + c2[None, :] - 2.0 * (coords @ coords.T)
    d2 = jnp.maximum(d2, 0.0)
    dists = jnp.sqrt(d2)
    # neighborhood mask: (dists > 0) & (dists <= radius)
    mask = (dists > 0.0) & (dists <= RADIUS)
    # gaussian kernel weights: exp(-d^2 / (2 sigma^2)), zeroed outside neighborhood
    w = jnp.where(mask, jnp.exp(-(dists * dists) / (2.0 * SIGMA * SIGMA)), 0.0)
    # per-spot normalization (skip rows with no neighbors, matching len(w)>0 guard)
    wsum = jnp.sum(w, axis=1, keepdims=True)
    W = w / jnp.where(wsum > 0.0, wsum, 1.0)
    return W


def reference(coords, identity_probs):
    # consistency_loss: (1/n) * sum_i sum_{j in N(i)} w_ij * ||p_i - p_j||^2
    W = _build_weights(coords)
    p2 = jnp.sum(identity_probs * identity_probs, axis=1)
    S = identity_probs @ identity_probs.T
    # ||p_i - p_j||^2 = ||p_i||^2 + ||p_j||^2 - 2 p_i.p_j
    sq = p2[:, None] + p2[None, :] - 2.0 * S
    n = identity_probs.shape[0]
    loss = jnp.sum(W * sq) / n
    return loss

if __name__ == "__main__":
    import jax
    _d = setup_inputs()
    print(jax.jit(kernel)(*tuple(_d.values())))

</pallas_src>

<mosaic_0001>
#map = affine_map<(d0, d1) -> (0, 0)>
#map1 = affine_map<(d0, d1) -> (0)>
module attributes {stable_mosaic.version = 14 : i64} {
  func.func @k(%arg0: i32, %arg1: i32, %arg2: memref<8192x256xf32, #tpu.memory_space<hbm>>, %arg3: memref<8192xi32, #tpu.memory_space<hbm>>, %arg4: memref<8192x256xf32, #tpu.memory_space<hbm>>, %arg5: memref<256xi32, #tpu.memory_space<vmem>>, %arg6: memref<256x256xf32, #tpu.memory_space<vmem>>, %arg7: memref<!tpu.dma_semaphore, #tpu.memory_space<semaphore_mem>>) attributes {dimension_semantics = [#tpu.dimension_semantics<core_parallel>, #tpu.dimension_semantics<subcore_parallel>], iteration_bounds = array<i64: 2, 16>, scalar_prefetch = 0 : i64, scratch_operands = 3 : i64, tpu.core_type = #tpu.core_type<sc_vector_subcore>, window_params = [{transform_indices = #map}, {transform_indices = #map1}, {transform_indices = #map}]} {
    %mul3A = arith.constant 2 : i32
    %mul3A_0 = arith.muli %arg1, %mul3A : i32
    %add3A = arith.addi %mul3A_0, %arg0 : i32
    %mul3A_1 = arith.constant 256 : i32
    %mul3A_2 = arith.muli %add3A, %mul3A_1 : i32
    "tpu.region"() ({
      %run_scoped3A = tpu.sem_alloc : memref<!tpu.dma_semaphore, #tpu.memory_space<semaphore_mem>>
      %dma_start3A_7 = tpu.memref_slice %arg3[%mul3A_2] : memref<8192xi32, #tpu.memory_space<hbm>> -> memref<256xi32, #tpu.memory_space<hbm>>
      %dma_start3A_8 = tpu.memref_slice %arg3[%mul3A_2] : memref<8192xi32, #tpu.memory_space<hbm>> -> memref<256xi32, #tpu.memory_space<hbm>>
      tpu.enqueue_dma source(%dma_start3A_8 : memref<256xi32, #tpu.memory_space<hbm>>) target(%arg5 : memref<256xi32, #tpu.memory_space<vmem>>) target_semaphore(%run_scoped3A : memref<!tpu.dma_semaphore, #tpu.memory_space<semaphore_mem>>)
      %dma_wait3A_9 = tpu.memref_slice %arg3[%mul3A_2] : memref<8192xi32, #tpu.memory_space<hbm>> -> memref<256xi32, #tpu.memory_space<hbm>>
      %dma_wait3A_10 = tpu.memref_slice %arg3[%mul3A_2] : memref<8192xi32, #tpu.memory_space<hbm>> -> memref<256xi32, #tpu.memory_space<hbm>>
      tpu.wait_dma2 semaphore(%run_scoped3A : memref<!tpu.dma_semaphore, #tpu.memory_space<semaphore_mem>>) src(%dma_wait3A_10 : memref<256xi32, #tpu.memory_space<hbm>>) dst(%arg5 : memref<256xi32, #tpu.memory_space<vmem>>)
      tpu.yield
    }) : () -> ()
    %dma_start3A = arith.constant 0 : i32
    %dma_start3A_3 = arith.constant 0 : i32
    %dma_start3A_4 = tpu.memref_slice %arg2[%dma_start3A, %dma_start3A_3] : memref<8192x256xf32, #tpu.memory_space<hbm>> -> memref<8192x256xf32, #tpu.memory_space<hbm>>
    tpu.enqueue_indirect_dma source(%dma_start3A_4 : memref<8192x256xf32, #tpu.memory_space<hbm>>) target(%arg6 : memref<256x256xf32, #tpu.memory_space<vmem>>) offsets(%arg5 : memref<256xi32, #tpu.memory_space<vmem>>) semaphore(%arg7 : memref<!tpu.dma_semaphore, #tpu.memory_space<semaphore_mem>>)
    %dma_wait3A = arith.constant 0 : i32
    %dma_wait3A_5 = arith.constant 0 : i32
    %dma_wait3A_6 = tpu.memref_slice %arg2[%dma_wait3A, %dma_wait3A_5] : memref<8192x256xf32, #tpu.memory_space<hbm>> -> memref<8192x256xf32, #tpu.memory_space<hbm>>
    tpu.wait_indirect_dma semaphore(%arg7 : memref<!tpu.dma_semaphore, #tpu.memory_space<semaphore_mem>>) src(%dma_wait3A_6 : memref<8192x256xf32, #tpu.memory_space<hbm>>) dst(%arg6 : memref<256x256xf32, #tpu.memory_space<vmem>>)
    "tpu.region"() ({
      %run_scoped3A = tpu.sem_alloc : memref<!tpu.dma_semaphore, #tpu.memory_space<semaphore_mem>>
      %dma_start3A_7 = arith.constant 0 : i32
      %dma_start3A_8 = tpu.memref_slice %arg4[%mul3A_2, %dma_start3A_7] : memref<8192x256xf32, #tpu.memory_space<hbm>> -> memref<256x256xf32, #tpu.memory_space<hbm>>
      %dma_start3A_9 = arith.constant 0 : i32
      %dma_start3A_10 = tpu.memref_slice %arg4[%mul3A_2, %dma_start3A_9] : memref<8192x256xf32, #tpu.memory_space<hbm>> -> memref<256x256xf32, #tpu.memory_space<hbm>>
      tpu.enqueue_dma source(%arg6 : memref<256x256xf32, #tpu.memory_space<vmem>>) target(%dma_start3A_10 : memref<256x256xf32, #tpu.memory_space<hbm>>) target_semaphore(%run_scoped3A : memref<!tpu.dma_semaphore, #tpu.memory_space<semaphore_mem>>)
      %dma_wait3A_11 = arith.constant 0 : i32
      %dma_wait3A_12 = tpu.memref_slice %arg4[%mul3A_2, %dma_wait3A_11] : memref<8192x256xf32, #tpu.memory_space<hbm>> -> memref<256x256xf32, #tpu.memory_space<hbm>>
      %dma_wait3A_13 = arith.constant 0 : i32
      %dma_wait3A_14 = tpu.memref_slice %arg4[%mul3A_2, %dma_wait3A_13] : memref<8192x256xf32, #tpu.memory_space<hbm>> -> memref<256x256xf32, #tpu.memory_space<hbm>>
      tpu.wait_dma2 semaphore(%run_scoped3A : memref<!tpu.dma_semaphore, #tpu.memory_space<semaphore_mem>>) src(%arg6 : memref<256x256xf32, #tpu.memory_space<vmem>>) dst(%dma_wait3A_14 : memref<256x256xf32, #tpu.memory_space<hbm>>)
      tpu.yield
    }) : () -> ()
    return
  }
}

module attributes {stable_mosaic.version = 14 : i64} {
  func.func @_loss_kernel(%arg0: i32, %arg1: memref<1xi32, #tpu.memory_space<smem>>, %arg2: memref<128xi32, #tpu.memory_space<smem>>, %arg3: memref<128xi32, #tpu.memory_space<smem>>, %arg4: memref<512x2xf32, #tpu.memory_space<vmem>>, %arg5: memref<512x256xf32, #tpu.memory_space<vmem>>, %arg6: memref<1024x2xf32, #tpu.memory_space<vmem>>, %arg7: memref<1024x256xf32, #tpu.memory_space<vmem>>, %arg8: memref<1x1xf32, #tpu.memory_space<vmem>>, %arg9: memref<512x256xf32, #tpu.memory_space<vmem>>, %arg10: memref<512x2xf32, #tpu.memory_space<vmem>>) attributes {dimension_semantics = [#tpu.dimension_semantics<arbitrary>], iteration_bounds = array<i64: -9223372036854775808>, scalar_prefetch = 3 : i64, scratch_operands = 2 : i64, tpu.core_type = #tpu.core_type<tc>, window_params = [{transform_indices = @transform_0, window_bounds = array<i64: 512, 2>}, {transform_indices = @transform_1, window_bounds = array<i64: 512, 256>}, {transform_indices = @transform_2, window_bounds = array<i64: 1024, 2>}, {transform_indices = @transform_3, window_bounds = array<i64: 1024, 256>}, {pipeline_mode = #tpu.pipeline_mode<synchronous>, transform_indices = @transform_4, window_bounds = array<i64: 1, 1>}]} {
    %get3A = arith.constant 0 : index
    %get3A_0 = memref.load %arg1[%get3A] : memref<1xi32, #tpu.memory_space<smem>>
    %get3A_1 = arith.index_cast %arg0 : i32 to index
    %get3A_2 = memref.load %arg2[%get3A_1] : memref<128xi32, #tpu.memory_space<smem>>
    %eq3A = arith.constant 0 : i32
    %eq3A_3 = arith.cmpi eq, %arg0, %eq3A : i32
    %sub3A = arith.constant 1 : i32
    %sub3A_4 = arith.subi %arg0, %sub3A : i32
    %max3A = arith.constant 0 : i32
    %max3A_5 = arith.maxsi %sub3A_4, %max3A : i32
    %get3A_6 = arith.index_cast %max3A_5 : i32 to index
    %get3A_7 = memref.load %arg2[%get3A_6] : memref<128xi32, #tpu.memory_space<smem>>
    %ne3A = arith.cmpi ne, %get3A_7, %get3A_2 : i32
    %or3A = arith.ori %eq3A_3, %ne3A : i1
    %sub3A_8 = arith.constant 1 : i32
    %sub3A_9 = arith.subi %get3A_0, %sub3A_8 : i32
    %eq3A_10 = arith.cmpi eq, %arg0, %sub3A_9 : i32
    %add3A = arith.constant 1 : i32
    %add3A_11 = arith.addi %arg0, %add3A : i32
    %min3A = arith.constant 127 : i32
    %min3A_12 = arith.minsi %add3A_11, %min3A : i32
    %get3A_13 = arith.index_cast %min3A_12 : i32 to index
    %get3A_14 = memref.load %arg2[%get3A_13] : memref<128xi32, #tpu.memory_space<smem>>
    %ne3A_15 = arith.cmpi ne, %get3A_14, %get3A_2 : i32
    %or3A_16 = arith.ori %eq3A_10, %ne3A_15 : i1
    %eq3A_17 = arith.constant 0 : i32
    %eq3A_18 = arith.cmpi eq, %arg0, %eq3A_17 : i32
    %convert_element_type3A = arith.extui %eq3A_18 : i1 to i32
    %cond3A = arith.constant 0 : i32
    %cond3A_19 = arith.cmpi ne, %convert_element_type3A, %cond3A : i32
    scf.if %cond3A_19 {
      %broadcast_in_dim3A_81 = arith.constant 0.000000e+00 : f32
      %broadcast_in_dim3A_82 = vector.broadcast %broadcast_in_dim3A_81 : f32 to vector<1x1xf32>
      %swap3A_83 = arith.constant 0 : index
      %swap3A_84 = arith.constant 0 : index
      %swap3A_85 = vector.load %arg8[%swap3A_83, %swap3A_84] : memref<1x1xf32, #tpu.memory_space<vmem>>, vector<1x1xf32>
      tpu.vector_store %arg8[%swap3A_83, %swap3A_84], %broadcast_in_dim3A_82 {strides = array<i32>} : memref<1x1xf32, #tpu.memory_space<vmem>>, vector<1x1xf32>,
    } else {
    }
    %convert_element_type3A_20 = arith.extui %or3A : i1 to i32
    %cond3A_21 = arith.constant 0 : i32
    %cond3A_22 = arith.cmpi ne, %convert_element_type3A_20, %cond3A_21 : i32
    scf.if %cond3A_22 {
      %broadcast_in_dim3A_81 = arith.constant 0.000000e+00 : f32
      %broadcast_in_dim3A_82 = vector.broadcast %broadcast_in_dim3A_81 : f32 to vector<512x256xf32>
      %swap3A_83 = arith.constant 0 : index
      %swap3A_84 = arith.constant 0 : index
      %swap3A_85 = vector.load %arg9[%swap3A_83, %swap3A_84] : memref<512x256xf32, #tpu.memory_space<vmem>>, vector<512x256xf32>
      tpu.vector_store %arg9[%swap3A_83, %swap3A_84], %broadcast_in_dim3A_82 {strides = array<i32>} : memref<512x256xf32, #tpu.memory_space<vmem>>, vector<512x256xf32>,
      %broadcast_in_dim3A_86 = arith.constant 0.000000e+00 : f32
      %broadcast_in_dim3A_87 = vector.broadcast %broadcast_in_dim3A_86 : f32 to vector<512x2xf32>
      %swap3A_88 = arith.constant 0 : index
      %swap3A_89 = arith.constant 0 : index
      %swap3A_90 = vector.load %arg10[%swap3A_88, %swap3A_89] : memref<512x2xf32, #tpu.memory_space<vmem>>, vector<512x2xf32>
      tpu.vector_store %arg10[%swap3A_88, %swap3A_89], %broadcast_in_dim3A_87 {strides = array<i32>} : memref<512x2xf32, #tpu.memory_space<vmem>>, vector<512x2xf32>,
    } else {
    }
    %get3A_23 = arith.constant 0 : index
    %get3A_24 = arith.constant 0 : index
    %get3A_25 = vector.load %arg4[%get3A_23, %get3A_24] : memref<512x2xf32, #tpu.memory_space<vmem>>, vector<512x2xf32>
    %get3A_26 = arith.constant 0 : index
    %get3A_27 = arith.constant 0 : index
    %get3A_28 = vector.load %arg6[%get3A_26, %get3A_27] : memref<1024x2xf32, #tpu.memory_space<vmem>>, vector<1024x2xf32>
    %mul3A = arith.mulf %get3A_25, %get3A_25 : vector<512x2xf32>
    %reduce_sum3A = arith.constant dense<0.000000e+00> : vector<512xf32>
    %reduce_sum3A_29 = vector.multi_reduction <add>, %mul3A, %reduce_sum3A [1] : vector<512x2xf32> to vector<512xf32>
    %broadcast_in_dim3A = vector.shape_cast %reduce_sum3A_29 : vector<512xf32> to vector<512x1xf32>
    %mul3A_30 = arith.mulf %get3A_28, %get3A_28 : vector<1024x2xf32>
    %reduce_sum3A_31 = arith.constant dense<0.000000e+00> : vector<1024xf32>
    %reduce_sum3A_32 = vector.multi_reduction <add>, %mul3A_30, %reduce_sum3A_31 [1] : vector<1024x2xf32> to vector<1024xf32>
    %dot_general3A = arith.constant dense<0.000000e+00> : vector<512x1024xf32>
    %dot_general3A_33 = tpu.matmul %get3A_25, %get3A_28, %dot_general3A {dimension_numbers = #tpu.dot_dimension_numbers<[1], [1], [0], [0], [0, 0, 1, 0], [], []>, transpose_lhs_hint = false} : vector<512x2xf32>, vector<1024x2xf32>, vector<512x1024xf32> -> vector<512x1024xf32>
    %broadcast_in_dim3A_34 = vector.shape_cast %reduce_sum3A_32 : vector<1024xf32> to vector<1x1024xf32>
    %add3A_35 = vector.broadcast %broadcast_in_dim3A : vector<512x1xf32> to vector<512x1024xf32>
    %add3A_36 = vector.broadcast %broadcast_in_dim3A_34 : vector<1x1024xf32> to vector<512x1024xf32>
    %add3A_37 = arith.addf %add3A_35, %add3A_36 : vector<512x1024xf32>
    %mul3A_38 = arith.constant 2.000000e+00 : f32
    %mul3A_39 = vector.broadcast %mul3A_38 : f32 to vector<512x1024xf32>
    %mul3A_40 = arith.mulf %mul3A_39, %dot_general3A_33 : vector<512x1024xf32>
    %sub3A_41 = arith.subf %add3A_37, %mul3A_40 : vector<512x1024xf32>
    %gt3A = arith.constant 0.000000e+00 : f32
    %gt3A_42 = vector.broadcast %gt3A : f32 to vector<512x1024xf32>
    %gt3A_43 = arith.cmpf ogt, %sub3A_41, %gt3A_42 : vector<512x1024xf32>
    %le3A = arith.constant 2.500000e+03 : f32
    %le3A_44 = vector.broadcast %le3A : f32 to vector<512x1024xf32>
    %le3A_45 = arith.cmpf ole, %sub3A_41, %le3A_44 : vector<512x1024xf32>
    %and3A = arith.andi %gt3A_43, %le3A_45 : vector<512x1024xi1>
    %neg3A = arith.constant 0.000000e+00 : f32
    %neg3A_46 = vector.broadcast %neg3A : f32 to vector<512x1024xf32>
    %neg3A_47 = arith.subf %neg3A_46, %sub3A_41 : vector<512x1024xf32>
    %mul3A_48 = arith.constant 8.000000e-04 : f32
    %mul3A_49 = vector.broadcast %mul3A_48 : f32 to vector<512x1024xf32>
    %mul3A_50 = arith.mulf %neg3A_47, %mul3A_49 : vector<512x1024xf32>
    %exp3A = math.exp %mul3A_50 : vector<512x1024xf32>
    %jit3A = arith.constant 0.000000e+00 : f32
    %broadcast_in_dim3A_51 = vector.broadcast %jit3A : f32 to vector<512x1024xf32>
    %select_n3A = arith.select %and3A, %exp3A, %broadcast_in_dim3A_51 : vector<512x1024xi1>, vector<512x1024xf32>
    %get3A_52 = arith.constant 0 : index
    %get3A_53 = arith.constant 0 : index
    %get3A_54 = vector.load %arg7[%get3A_52, %get3A_53] : memref<1024x256xf32, #tpu.memory_space<vmem>>, vector<1024x256xf32>
    %mul3A_55 = arith.mulf %get3A_54, %get3A_54 : vector<1024x256xf32>
    %reduce_sum3A_56 = arith.constant dense<0.000000e+00> : vector<1024xf32>
    %reduce_sum3A_57 = vector.multi_reduction <add>, %mul3A_55, %reduce_sum3A_56 [1] : vector<1024x256xf32> to vector<1024xf32>
    %broadcast_in_dim3A_58 = vector.shape_cast %reduce_sum3A_57 : vector<1024xf32> to vector<1024x1xf32>
    %get3A_59 = arith.constant 0 : index
    %get3A_60 = arith.constant 0 : index
    %get3A_61 = vector.load %arg9[%get3A_59, %get3A_60] : memref<512x256xf32, #tpu.memory_space<vmem>>, vector<512x256xf32>
    %dot_general3A_62 = arith.constant dense<0.000000e+00> : vector<512x256xf32>
    %dot_general3A_63 = tpu.matmul %select_n3A, %get3A_54, %dot_general3A_62 {dimension_numbers = #tpu.dot_dimension_numbers<[1], [0], [0], [1], [0, 0, 1, 1], [], []>, transpose_lhs_hint = false} : vector<512x1024xf32>, vector<1024x256xf32>, vector<512x256xf32> -> vector<512x256xf32>
    %add3A_64 = arith.addf %get3A_61, %dot_general3A_63 : vector<512x256xf32>
    %swap3A = arith.constant 0 : index
    %swap3A_65 = arith.constant 0 : index
    %swap3A_66 = vector.load %arg9[%swap3A, %swap3A_65] : memref<512x256xf32, #tpu.memory_space<vmem>>, vector<512x256xf32>
    tpu.vector_store %arg9[%swap3A, %swap3A_65], %add3A_64 {strides = array<i32>} : memref<512x256xf32, #tpu.memory_space<vmem>>, vector<512x256xf32>,
    %broadcast_in_dim3A_67 = arith.constant 1.000000e+00 : f32
    %broadcast_in_dim3A_68 = vector.broadcast %broadcast_in_dim3A_67 : f32 to vector<1024x1xf32>
    %concatenate3A = tpu.concatenate %broadcast_in_dim3A_58, %broadcast_in_dim3A_68 in 1 : vector<1024x1xf32>, vector<1024x1xf32> -> vector<1024x2xf32>
    %get3A_69 = arith.constant 0 : index
    %get3A_70 = arith.constant 0 : index
    %get3A_71 = vector.load %arg10[%get3A_69, %get3A_70] : memref<512x2xf32, #tpu.memory_space<vmem>>, vector<512x2xf32>
    %dot_general3A_72 = arith.constant dense<0.000000e+00> : vector<512x2xf32>
    %dot_general3A_73 = tpu.matmul %select_n3A, %concatenate3A, %dot_general3A_72 {dimension_numbers = #tpu.dot_dimension_numbers<[1], [0], [0], [1], [0, 0, 1, 1], [], []>, transpose_lhs_hint = false} : vector<512x1024xf32>, vector<1024x2xf32>, vector<512x2xf32> -> vector<512x2xf32>
    %add3A_74 = arith.addf %get3A_71, %dot_general3A_73 : vector<512x2xf32>
    %swap3A_75 = arith.constant 0 : index
    %swap3A_76 = arith.constant 0 : index
    %swap3A_77 = vector.load %arg10[%swap3A_75, %swap3A_76] : memref<512x2xf32, #tpu.memory_space<vmem>>, vector<512x2xf32>
    tpu.vector_store %arg10[%swap3A_75, %swap3A_76], %add3A_74 {strides = array<i32>} : memref<512x2xf32, #tpu.memory_space<vmem>>, vector<512x2xf32>,
    %convert_element_type3A_78 = arith.extui %or3A_16 : i1 to i32
    %cond3A_79 = arith.constant 0 : i32
    %cond3A_80 = arith.cmpi ne, %convert_element_type3A_78, %cond3A_79 : i32
    scf.if %cond3A_80 {
      %get3A_81 = arith.constant 0 : index
      %get3A_82 = arith.constant 0 : index
      %get3A_83 = vector.load %arg5[%get3A_81, %get3A_82] : memref<512x256xf32, #tpu.memory_space<vmem>>, vector<512x256xf32>
      %mul3A_84 = arith.mulf %get3A_83, %get3A_83 : vector<512x256xf32>
      %reduce_sum3A_85 = arith.constant dense<0.000000e+00> : vector<512xf32>
      %reduce_sum3A_86 = vector.multi_reduction <add>, %mul3A_84, %reduce_sum3A_85 [1] : vector<512x256xf32> to vector<512xf32>
      %broadcast_in_dim3A_87 = vector.shape_cast %reduce_sum3A_86 : vector<512xf32> to vector<512x1xf32>
      %get3A_88 = arith.constant 0 : index
      %get3A_89 = arith.constant 0 : index
      %get3A_90 = vector.load %arg9[%get3A_88, %get3A_89] : memref<512x256xf32, #tpu.memory_space<vmem>>, vector<512x256xf32>
      %mul3A_91 = arith.mulf %get3A_83, %get3A_90 : vector<512x256xf32>
      %reduce_sum3A_92 = arith.constant dense<0.000000e+00> : vector<512xf32>
      %reduce_sum3A_93 = vector.multi_reduction <add>, %mul3A_91, %reduce_sum3A_92 [1] : vector<512x256xf32> to vector<512xf32>
      %broadcast_in_dim3A_94 = vector.shape_cast %reduce_sum3A_93 : vector<512xf32> to vector<512x1xf32>
      %get3A_95 = arith.constant 0 : index
      %get3A_96 = arith.constant 1 : index
      %get3A_97 = vector.load %arg10[%get3A_95, %get3A_96] : memref<512x2xf32, #tpu.memory_space<vmem>>, vector<512x1xf32>
      %mul3A_98 = arith.mulf %broadcast_in_dim3A_87, %get3A_97 : vector<512x1xf32>
      %get3A_99 = arith.constant 0 : index
      %get3A_100 = arith.constant 0 : index
      %get3A_101 = vector.load %arg10[%get3A_99, %get3A_100] : memref<512x2xf32, #tpu.memory_space<vmem>>, vector<512x1xf32>
      %add3A_102 = arith.addf %mul3A_98, %get3A_101 : vector<512x1xf32>
      %mul3A_103 = arith.constant 2.000000e+00 : f32
      %mul3A_104 = vector.broadcast %mul3A_103 : f32 to vector<512x1xf32>
      %mul3A_105 = arith.mulf %mul3A_104, %broadcast_in_dim3A_94 : vector<512x1xf32>
      %sub3A_106 = arith.subf %add3A_102, %mul3A_105 : vector<512x1xf32>
      %gt3A_107 = arith.constant 0.000000e+00 : f32
      %gt3A_108 = vector.broadcast %gt3A_107 : f32 to vector<512x1xf32>
      %gt3A_109 = arith.cmpf ogt, %get3A_97, %gt3A_108 : vector<512x1xf32>
      %jit3A_110 = arith.constant 1.000000e+00 : f32
      %broadcast_in_dim3A_111 = vector.broadcast %jit3A_110 : f32 to vector<512x1xf32>
      %select_n3A_112 = arith.select %gt3A_109, %get3A_97, %broadcast_in_dim3A_111 : vector<512x1xi1>, vector<512x1xf32>
      %div3A = arith.divf %sub3A_106, %select_n3A_112 : vector<512x1xf32>
      %reduce_sum3A_113 = vector.shape_cast %div3A : vector<512x1xf32> to vector<1x512x1xf32>
      %reduce_sum3A_114 = arith.constant dense<0.000000e+00> : vector<1xf32>
      %reduce_sum3A_115 = vector.multi_reduction <add>, %reduce_sum3A_113, %reduce_sum3A_114 [1, 2] : vector<1x512x1xf32> to vector<1xf32>
      %reduce_sum3A_116 = vector.shape_cast %reduce_sum3A_115 : vector<1xf32> to vector<1x1x1xf32>
      %reduce_sum3A_117 = vector.extract %reduce_sum3A_116[0, 0, 0] : f32 from vector<1x1x1xf32>
      %get3A_118 = arith.constant 0 : index
      %get3A_119 = arith.constant 0 : index
      %get3A_120 = vector.load %arg8[%get3A_118, %get3A_119] : memref<1x1xf32, #tpu.memory_space<vmem>>, vector<1x1xf32>
      %broadcast_in_dim3A_121 = vector.broadcast %reduce_sum3A_117 : f32 to vector<1x1xf32>
      %add3A_122 = arith.addf %get3A_120, %broadcast_in_dim3A_121 : vector<1x1xf32>
      %swap3A_123 = arith.constant 0 : index
      %swap3A_124 = arith.constant 0 : index
      %swap3A_125 = vector.load %arg8[%swap3A_123, %swap3A_124] : memref<1x1xf32, #tpu.memory_space<vmem>>, vector<1x1xf32>
      tpu.vector_store %arg8[%swap3A_123, %swap3A_124], %add3A_122 {strides = array<i32>} : memref<1x1xf32, #tpu.memory_space<vmem>>, vector<1x1xf32>,
    } else {
    }
    return
  }
  func.func @transform_0(%arg0: i32, %arg1: memref<1xi32, #tpu.memory_space<smem>>, %arg2: memref<128xi32, #tpu.memory_space<smem>>, %arg3: memref<128xi32, #tpu.memory_space<smem>>) -> (i32, i32) {
    %get3A = arith.index_cast %arg0 : i32 to index
    %get3A_0 = memref.load %arg2[%get3A] : memref<128xi32, #tpu.memory_space<smem>>
    %c0_i32 = arith.constant 0 : i32
    %c0_i32_1 = arith.constant 0 : i32
    return %get3A_0, %c0_i32 : i32, i32
  }
  func.func @transform_1(%arg0: i32, %arg1: memref<1xi32, #tpu.memory_space<smem>>, %arg2: memref<128xi32, #tpu.memory_space<smem>>, %arg3: memref<128xi32, #tpu.memory_space<smem>>) -> (i32, i32) {
    %get3A = arith.index_cast %arg0 : i32 to index
    %get3A_0 = memref.load %arg2[%get3A] : memref<128xi32, #tpu.memory_space<smem>>
    %c0_i32 = arith.constant 0 : i32
    %c0_i32_1 = arith.constant 0 : i32
    return %get3A_0, %c0_i32 : i32, i32
  }
  func.func @transform_2(%arg0: i32, %arg1: memref<1xi32, #tpu.memory_space<smem>>, %arg2: memref<128xi32, #tpu.memory_space<smem>>, %arg3: memref<128xi32, #tpu.memory_space<smem>>) -> (i32, i32) {
    %get3A = arith.index_cast %arg0 : i32 to index
    %get3A_0 = memref.load %arg3[%get3A] : memref<128xi32, #tpu.memory_space<smem>>
    %c0_i32 = arith.constant 0 : i32
    %c0_i32_1 = arith.constant 0 : i32
    return %get3A_0, %c0_i32 : i32, i32
  }
  func.func @transform_3(%arg0: i32, %arg1: memref<1xi32, #tpu.memory_space<smem>>, %arg2: memref<128xi32, #tpu.memory_space<smem>>, %arg3: memref<128xi32, #tpu.memory_space<smem>>) -> (i32, i32) {
    %get3A = arith.index_cast %arg0 : i32 to index
    %get3A_0 = memref.load %arg3[%get3A] : memref<128xi32, #tpu.memory_space<smem>>
    %c0_i32 = arith.constant 0 : i32
    %c0_i32_1 = arith.constant 0 : i32
    return %get3A_0, %c0_i32 : i32, i32
  }
  func.func @transform_4(%arg0: i32, %arg1: memref<1xi32, #tpu.memory_space<smem>>, %arg2: memref<128xi32, #tpu.memory_space<smem>>, %arg3: memref<128xi32, #tpu.memory_space<smem>>) -> (i32, i32) {
    %c0_i32 = arith.constant 0 : i32
    %c0_i32_0 = arith.constant 0 : i32
    %c0_i32_1 = arith.constant 0 : i32
    return %c0_i32, %c0_i32_0 : i32, i32
  }
}

</mosaic_0001>

<sc_bundles>
// kernel: gather_offload_async_start
scs
__scs_entry_jumppad:
0x0: {  	(pc) =	sbr.rel $0x88, $3  }
0x1: {  	(tag) =	ssettag $0x0;
	lr =	simm.s32 $0x1  }
0x2: {  	[smem:$0x3F9F] =	sst lr;
	_ =	strace $0xD0000000  }
0x3: {  	_ = 	snop  }
0x4: {  	_ = 	snop  }
0x5: {  	_ = 	snop  }
0x6: {  	_ = 	snop  }
0x7: {  	_ = 	snop  }
__scs_overlays_trampoline_lowered:
0x8: {  	[smem:$0x3FAE] =	sst s0  }
0x9: {  	[smem:$0x3FAF] =	sst s1  }
0xa: {  	[smem:$0x3FB0] =	sst s2  }
0xb: {  	[smem:$0x3FB1] =	sst s3  }
0xc: {  	[smem:$0x3FB2] =	sst s4  }
0xd: {  	[smem:$0x3FB3] =	sst s5  }
0xe: {  	[smem:$0x3FB4] =	sst s6  }
0xf: {  	[smem:$0x3FB5] =	sst s7  }
0x10: {  	[smem:$0x3FB6] =	sst s8  }
0x11: {  	[smem:$0x3FB7] =	sst s9;
	s0 =	simm.s32 @!p0 $0x0  }
0x12: {  	s1 =	sld [smem:$0x3F9D];
	s0 =	simm.s32 @p0 $0x1  }
0x13: {  	[smem:$0x3FB8] =	sst s0;
	s0 =	simm.s32 @!p1 $0x0  }
0x14: {  	s2 =	sld [smem:$0x3F9C];
	s0 =	simm.s32 @p1 $0x1  }
0x15: {  	[smem:$0x3FB9] =	sst s0;
	s0 =	simm.s32 @!p2 $0x0  }
0x16: {  	s3 =	sld [smem:$0x3FDB];
	s0 =	simm.s32 @p2 $0x1  }
0x17: {  	s4 =	simm.s32 $0x1BF5;
	[smem:$0x3FBB] =	sst s0  }
0x18: {  	s0 =	sld [smem:$0x3F9E];
	_ =	swait.ge [sflag:s4], $0x0  }
0x19: {  	s7 =	sld [smem:$0x3F9F]  }
0x1a: {  	s8 =	sadd.s32 $0xFFFFE003, lr  }
0x1b: {  	s9 =	sadd.s32 $0xFFFFFEF7, lr;
	s5 =	simm.s32 $0xFFFFFFFF;
	p2 =	slt.u32 s8, $0xFFFFF086  }
0x1c: {  	p1 =	slt.u32 s9, $0xF7A;
	s5 =	simm.s32 @!p2 $0x0  }
0x1d: {  	s5 =	simm.s32 @p1 $0x1;
	p0 =	seq.s32 s7, s2  }
0x1e: {  	s7 =	smul.u32 @!p0 $0xF7A, s2;
	p2 =	seq.s32 @!p0 s5, $0x0  }
0x1f: {  	s9 =	smul.u32 $0xF7A, s1;
	s8 =	simm.s32 @!p0 $0x1BF5;
	p2 =	por !p2, p0  }
0x20: {  	[sflag:s8] =	ssyncset.s32 @!p0 $0xFFFFF086;
	s6 =	sadd.s32 @!p0 s3, s7;
	s7 =	simm.s32 @!p0 $0x108  }
0x21: {  	s3 =	sadd.s32 s3, s9;
	s6 =	sadd.s32 @!p0 $0x88, s6;
	s7 =	simm.s32 @p2 $0x1082  }
0x22: {  	[simem:s7], [sflag:s8] =	dma.local @!p0 [hbm:s6], $0xF7A  }
0x23: {  	s9 =	sor.u32 $0xD0000000, s2;
	s6 =	simm.s32 $0x108;
	_ =	swait.ge @!p0 [sflag:s8], $0x0  }
0x24: {  	s3 =	sadd.s32 $0x88, s3;
	s6 =	simm.s32 @!p1 $0x1082;
	[sflag:s4] =	ssyncset.s32 $0xFFFFF086  }
0x25: {  	[simem:s6], [sflag:s4] =	dma.local [hbm:s3], $0xF7A  }
0x26: {  	[smem:$0x3F9F] =	sst s1;
	(tag) =	ssettag s2;
	_ =	strace s9  }
0x27: {  	s1 =	sld [smem:$0x3FAF]  }
0x28: {  	s2 =	sld [smem:$0x3FB0]  }
0x29: {  	s4 =	sld [smem:$0x3FB2]  }
0x2a: {  	p0 =	seq.s32 s5, $0x0;
	s5 =	sld [smem:$0x3FB3]  }
0x2b: {  	s6 =	sld [smem:$0x3FB4]  }
0x2c: {  	s7 =	sld [smem:$0x3FB5]  }
0x2d: {  	s3 =	simm.s32 $0x108;
	s8 =	sld [smem:$0x3FB6]  }
0x2e: {  	s3 =	simm.s32 @!p0 $0x1082;
	s9 =	sld [smem:$0x3FB7]  }
0x2f: {  	lr =	sadd.s32 s0, s3;
	s0 =	sld [smem:$0x3FAE]  }
0x30: {  	s3 =	sld [smem:$0x3FB1]  }
0x31: {  	[smem:$0x3FBA] =	sst s10  }
0x32: {  	s10 =	sld [smem:$0x3FB8];
	_ =	sdelay $0x3  }
0x33: {  	p0 =	seq.s32 s10, $0x1;
	s10 =	sld [smem:$0x3FBA];
	_ =	sdelay $0x3  }
0x34: {  	[smem:$0x3FBA] =	sst s10  }
0x35: {  	s10 =	sld [smem:$0x3FB9];
	_ =	sdelay $0x3  }
0x36: {  	p1 =	seq.s32 s10, $0x1;
	s10 =	sld [smem:$0x3FBA];
	_ =	sdelay $0x3  }
0x37: {  	[smem:$0x3FBA] =	sst s10  }
0x38: {  	s10 =	sld [smem:$0x3FBB]  }
0x39: {  	_ = 	snop;
	(pc) =	sbr.ind lr, $3  }
0x3a: {  	_ = 	snop  }
0x3b: {  	_ = 	snop  }
0x3c: {  	p2 =	seq.s32 s10, $0x1;
	s10 =	sld [smem:$0x3FBA]  }
0x3d: {  	_ =	shalt  }
0x3e: {  	_ =	shalt  }
0x3f: {  	_ =	shalt  }
0x40: {  	_ =	shalt  }
0x41: {  	_ =	shalt  }
0x42: {  	_ =	shalt  }
0x43: {  	_ =	shalt  }
0x44: {  	_ =	shalt  }
0x45: {  	_ =	shalt  }
0x46: {  	_ =	shalt  }
0x47: {  	_ =	shalt  }
0x48: {  	_ =	shalt  }
0x49: {  	_ =	shalt  }
0x4a: {  	_ =	shalt  }
0x4b: {  	_ =	shalt  }
0x4c: {  	_ =	shalt  }
0x4d: {  	_ =	shalt  }
0x4e: {  	_ =	shalt  }
0x4f: {  	_ =	shalt  }
0x50: {  	_ =	shalt  }
0x51: {  	_ =	shalt  }
0x52: {  	_ =	shalt  }
0x53: {  	_ =	shalt  }
0x54: {  	_ =	shalt  }
0x55: {  	_ =	shalt  }
0x56: {  	_ =	shalt  }
0x57: {  	_ =	shalt  }
0x58: {  	_ =	shalt  }
0x59: {  	_ =	shalt  }
0x5a: {  	_ =	shalt  }
0x5b: {  	_ =	shalt  }
0x5c: {  	_ =	shalt  }
0x5d: {  	_ =	shalt  }
0x5e: {  	_ =	shalt  }
0x5f: {  	_ =	shalt  }
0x60: {  	_ =	shalt  }
0x61: {  	_ =	shalt  }
0x62: {  	_ =	shalt  }
0x63: {  	_ =	shalt  }
0x64: {  	_ =	shalt  }
0x65: {  	_ =	shalt  }
0x66: {  	_ =	shalt  }
0x67: {  	_ =	shalt  }
0x68: {  	_ =	shalt  }
0x69: {  	_ =	shalt  }
0x6a: {  	_ =	shalt  }
0x6b: {  	_ =	shalt  }
0x6c: {  	_ =	shalt  }
0x6d: {  	_ =	shalt  }
0x6e: {  	_ =	shalt  }
0x6f: {  	_ =	shalt  }
0x70: {  	_ =	shalt  }
0x71: {  	_ =	shalt  }
0x72: {  	_ =	shalt  }
0x73: {  	_ =	shalt  }
0x74: {  	_ =	shalt  }
0x75: {  	_ =	shalt  }
0x76: {  	_ =	shalt  }
0x77: {  	_ =	shalt  }
0x78: {  	_ =	shalt  }
0x79: {  	_ =	shalt  }
0x7a: {  	_ =	shalt  }
0x7b: {  	_ =	shalt  }
0x7c: {  	_ =	shalt  }
0x7d: {  	_ =	shalt  }
0x7e: {  	_ =	shalt  }
0x7f: {  	_ =	shalt  }
0x80: {  	_ =	shalt  }
0x81: {  	_ =	shalt  }
0x82: {  	_ =	shalt  }
0x83: {  	_ =	shalt  }
0x84: {  	_ =	shalt  }
0x85: {  	_ =	shalt  }
0x86: {  	_ =	shalt  }
0x87: {  	_ =	shalt  }
.Lfunc_end0:
.L_simem_size_0:
called_computation_lowered:
.L_overlay_start_0:
0x88: {  	s2 =	sld [smem:$0x3FD9]  }
0x89: {  	s3 =	sld [smem:$0x3FFE];
	_ =	sdelay $0x1  }
0x8a: {  	s1 =	srdreg.scid  }
0x8b: {  	s0 =	sand.u32 $0x1, s1  }
0x8c: {  	s16 =	sshll.u32 s0, $0xA;
	s2 =	sadd.s32 s3, s2  }
0x8d: {  	s2 =	sadd.s32 s2, s16  }
0x8e: {  	[smem:$0x3FC6] =	sst s2  }
0x8f: {  	_ = 	snop  }
0x90: {  	(tm) =	ssettm $0x1  }
0x91: {  	s17 =	sld [smem:$0x3FFB];
	_ =	sdelay $0x3  }
0x92: {  	_ =	strace s17  }
0x93: {  	s2 =	sld [smem:$0x3FFC];
	_ =	sdelay $0x3  }
0x94: {  	_ =	strace s2  }
0x95: {  	s2 =	sld [smem:$0x3FFD];
	_ =	sdelay $0x3  }
0x96: {  	_ =	strace s2  }
0x97: {  	_ =	strace $0x8FFFFFFF  }
0x98: {  	s18 =	sld [smem:$0x3FDB];
	_ =	sdelay $0x1  }
0x99: {  	s19 =	simm.s32 $_scs_section_size  }
0x9a: {  	s4 =	simm.s32 $_size__tile_overlayer_lowered;
	s5 =	simm.s32 $_tile_overlayer_lowered  }
0x9b: {  	s22 =	simm.s32 $0x1BFF;
	s21 =	sshll.u32 s5, $0x1;
	s2 =	sadd.s32 s19, s18  }
0x9c: {  	s6 =	simm.s32 $0x0;
	s20 =	sshll.u32 s4, $0x1;
	s4 =	sadd.s32 s21, s2  }
0x9d: {  	[timem:s6], [sflag:s22] =	dma.local [hbm:s4], s20  }
0x9e: {  	_ =	swait.ge [sflag:s22], s20  }
0x9f: {  	s3 =	ssub.s32 $0x0, s20;
	[sflag:s22] =	ssyncset.done $0x0  }
0xa0: {  	[sflag:s22] =	ssyncadd.s32 s3;
	_ =	sdelay $0x1  }
0xa1: {  	s23 =	simm.s32 $0x1B8B  }
0xa2: {  	_ =	swait.ge [sflag:s23], $0x1  }
0xa3: {  	[sflag:s23] =	ssyncset.done $0x0  }
0xa4: {  	s25 =	simm.s32 $0x1B8E;
	s24 =	sld [smem:$0x3FFE];
	[sflag:s23] =	ssyncadd.s32 $0xFFFFFFFF  }
0xa5: {  	s26 =	simm.s32 $execute0_lowered;
	[smem:$0x3FD2] =	sst s25  }
0xa6: {  	s4 =	sshll.u32 s26, $0x1;
	_ =	strace $0x80000046;
	[dreg:$0x1] =	wrdreg $0xFFFFFFFF  }
0xa7: {  	s28 =	simm.s32 $_size_execute0_lowered;
	s2 =	sadd.s32 s2, s4;
	[dreg:$0x0] =	wrdreg $0x0  }
0xa8: {  	s4 =	sshll.u32 s28, $0x1;
	[dreg:$0x2] =	wrdreg s2  }
0xa9: {  	[dreg:$0x3] =	wrdreg s4  }
0xaa: {  	[dreg:$0x4] =	wrdreg $0xC0  }
0xab: {  	_ =	task [dreg:s6], $0x5FFFF  }
0xac: {  	[dreg:$0x1] =	wrdreg $0xFFFFFFFF  }
0xad: {  	[dreg:$0x0] =	wrdreg $0x60  }
0xae: {  	[dreg:$0x2] =	wrdreg s24  }
0xaf: {  	[dreg:$0x3] =	wrdreg $0x9  }
0xb0: {  	_ =	task.clear_ibuf [dreg:s6], $0x4FFFF;
	_ =	strace $0x90000046  }
0xb1: {  	s29 =	simm.s32 $0x9;
	_ =	strace $0x80000048  }
0xb2: {  	_ =	swait.ge [sflag:s29], $0x1  }
0xb3: {  	[sflag:s29] =	ssyncadd.s32 $0xFFFFFFFF  }
0xb4: {  	_ =	strace $0x90000048  }
0xb5: {  	_ =	sfence  }
0xb6: {  	s30 =	sld [smem:$0x0];
	_ =	sdelay $0x2  }
0xb7: {  	s31 =	sshll.u32 s1, $0xD;
	s1 =	sshrl.u32 s1, $0x2  }
0xb8: {  	s3 =	sand.u32 $0x4000, s31;
	s1 =	sadd.s32 s1, s30  }
0xb9: {  	s0 =	sor.u32 s3, s0;
	s1 =	sshll.u32 s1, $0x11  }
0xba: {  	s0 =	sor.u32 s1, s0  }
0xbb: {  	s0 =	sadd.s32 $0x8F2B, s0  }
0xbc: {  	[sflag:s0] =	ssyncadd.remote.s32 $0x1  }
0xbd: {  	_ =	sfence.sel $0xFFFF  }
0xbe: {  	[dreg:$0x0] =	wrdreg $0xFFFFFFFF;
	(pc) =	sbr.abs _section_cstart, $3  }
0xbf: {  	[dreg:$0x1] =	wrdreg $0xFFFFFFFF  }
0xc0: {  	_ =	task.clear_ibuf [dreg:s6], $0x2FFFF;
	_ =	strace $0x9FFFFFFF  }
0xc1: {  	(tm) =	ssettm $0x7FFFFFFF  }
tec
execute0_lowered:
.L_overlay_start_1:
0x0: {  	(tag) =	ssettag $0x1  }
0x1: {  	s2 =	rddreg [dreg:$0x0]  }
0x2: {  	s0 =	rddreg [dreg:$0x1]  }
0x3: {  	s1 =	srdreg.scid;
	_ =	strace $0x80000047;
	s4 =	simm.s32 $0x1  }
0x4: {  	s9 =	simm.s32 $0x3;
	s12 =	simm.s32 $0x0;
	s5 =	sshll.u32 s1, $0x4  }
.Ltmp0:
0x5: {  	s1 =	stileid.u32;
	s5 =	sand.u32 $0x10, s5;
	(pc) =	sbr.rel .LBB2_1-.Ltmp0, $4  }
0x6: {  	s10 =	simm.s32 $0x0;
	s3 =	sadd.s32 $0x20000, s2;
	s6 =	sor.u32 s1, s5  }
0x7: {  	[sflag:s4] =	ssyncpa.u1 $0x0;
	s5 =	simm.s32 $0x2;
	s6 =	sshll.u32 s6, $0x8  }
0x8: {  	s7 =	sadd.s32 $0x20800, s2;
	[sflag:s5] =	ssyncpa.u1 $0x0;
	s8 =	sadd.s32 $0x100, s6  }
0x9: {  	vm0 =	vmmov $0xff;
	vm1 =	vcmask $0x3F20;
	[sflag:s9] =	ssyncpa.u1 $0x0;
	s9 =	simm.s32 $0x100;
	s11 =	smov.u32 s6  }
.LBB2_9:
0xa: {  	p0 =	seq.s32 s10, $0x2  }
.Ltmp1:
0xb: {  	_ = 	snop;
	(pc) =	sbr.rel @p0 .LBB2_11-.Ltmp1, $1  }
0xc: {  	_ =	sdelay $0x3  }
.LBB2_10:
0xd: {  	s12 =	sadd.s32 $0x100, s11  }
0xe: {  	s13 =	smov.u32 s6;
	p0 =	slt.s32 s12, s8  }
0xf: {  	s13 =	smov.u32 @p0 s12  }
0x10: {  	s10 =	sadd.s32 $0x1, s10;
	s12 =	smov.u32 s11;
	s11 =	smov.u32 s13  }
.LBB2_1:
0x11: {  	p0 =	sne.s32 s10, $0x0  }
.Ltmp2:
0x12: {  	_ = 	snop;
	(pc) =	sbr.rel @!p0 .LBB2_2-.Ltmp2, $1  }
0x13: {  	_ =	sdelay $0x3  }
0x14: {  	s13 =	sand.u32 $0x1, s10  }
0x15: {  	p0 =	seq.s32 s13, $0x0  }
.Ltmp3:
0x16: {  	_ = 	snop;
	(pc) =	sbr.rel @p0 .LBB2_9-.Ltmp3, $1  }
0x17: {  	_ =	sdelay $0x3  }
0x18: {  	_ =	swait.ge [sflag:s5], $0x100  }
0x19: {  	[sflag:s5] =	ssyncset.done $0x0  }
0x1a: {  	s13 =	simm.s32 $0x0;
	[sflag:s5] =	ssyncadd.s32 $0xFFFFFF00  }
0x1b: {  	v0 =	vld.msk [tilespmem:s13+$0x100 ss:$0x1], $0xffff;
	_ =	sdelay $0x4  }
0x1c: {  	vm2 =	vgt.s32 v0, $0x0  }
0x1d: {  	v0 =	vnsel vm2, $0x0, v0  }
0x1e: {  	v0 =	vmin.u32 v0, $0x1FFF  }
0x1f: {  	v0 =	vshll.u32 v0, $0x4;
	_ =	sdelay $0x3  }
0x20: {  	s13 =	simm.s32 $0x8200  }
0x21: {  	[tilespmem:s13], [sflag:$0x1] =	stream.indirect_vreg.gather [hbm:s2], $0x80, v0, vm0, $0x38;
	[tilespmem:$0x10200] =	vst v63  }
0x22: {  	s14 =	simm.s32 $0x8600;
	s31 =	simm.s32 $0x10  }
0x23: {  	[tilespmem:s14], [sflag:$0x1] =	stream.indirect_vreg.gather [hbm:s2], $0x80, v0, vm1, $0x38;
	[tilespmem:$0x10200] =	vst v63  }
0x24: {  	s14 =	simm.s32 $0x80;
	v0 =	vld.msk [tilespmem:s31+$0x100 ss:$0x1], $0xffff  }
.LBB2_5:
0x25: {  	p0 =	sne.s32 s14, $0x3C0;
	_ =	sdelay $0x4  }
0x26: {  	vm2 =	vgt.s32 v0, $0x0  }
0x27: {  	v0 =	vnsel vm2, $0x0, v0  }
0x28: {  	v0 =	vmin.u32 v0, $0x1FFF  }
0x29: {  	v0 =	vshll.u32 v0, $0x4;
	_ =	sdelay $0x3  }
.Ltmp4:
0x2a: {  	s13 =	sadd.s32 $0x800, s13;
	(pc) =	sbr.rel @p0 .LBB2_5-.Ltmp4, $4  }
0x2b: {  	[tilespmem:s13], [sflag:$0x1] =	stream.indirect_vreg.gather [hbm:s2], $0x80, v0, vm0, $0x38;
	[tilespmem:$0x10200] =	vst v63  }
0x2c: {  	s15 =	sshra.s32 s14, $0x2;
	s16 =	sadd.s32 $0x400, s13  }
0x2d: {  	[tilespmem:s16], [sflag:$0x1] =	stream.indirect_vreg.gather [hbm:s2], $0x80, v0, vm1, $0x38;
	[tilespmem:$0x10200] =	vst v63  }
0x2e: {  	s14 =	sadd.s32 $0x40, s14;
	v0 =	vld.msk [tilespmem:s15+$0x100 ss:$0x1], $0xffff  }
0x2f: {  	_ =	sdelay $0x3  }
0x30: {  	vm2 =	vgt.s32 v0, $0x0  }
0x31: {  	v0 =	vnsel vm2, $0x0, v0  }
0x32: {  	v0 =	vmin.u32 v0, $0x1FFF  }
0x33: {  	v0 =	vshll.u32 v0, $0x4;
	_ =	sdelay $0x3  }
0x34: {  	s13 =	sadd.s32 $0x800, s13  }
0x35: {  	[tilespmem:s13], [sflag:$0x1] =	stream.indirect_vreg.gather [hbm:s2], $0x80, v0, vm0, $0x38;
	[tilespmem:$0x10200] =	vst v63  }
0x36: {  	s13 =	sadd.s32 $0x400, s13  }
0x37: {  	[tilespmem:s13], [sflag:$0x1] =	stream.indirect_vreg.gather [hbm:s2], $0x80, v0, vm1, $0x38;
	[tilespmem:$0x10200] =	vst v63  }
0x38: {  	s12 =	sshll.u32 s12, $0x4;
	s14 =	simm.s32 $0x80;
	_ =	swait.ge [sflag:s4], $0x8000  }
0x39: {  	s15 =	simm.s32 $0x8600;
	s12 =	sadd.s32 s12, s7;
	[sflag:s4] =	ssyncset.done $0x0  }
0x3a: {  	s16 =	sadd.s32 $0x0, s12;
	s13 =	simm.s32 $0x8200;
	[sflag:s4] =	ssyncadd.s32 $0xFFFF8000  }
.LBB2_7:
0x3b: {  	[hbm:s16] =	stream.linear.scatter [tilespmem:s13], [sflag:$0x3], $0x400, $0x38;
	[tilespmem:$0x10200] =	vst v63  }
0x3c: {  	s16 =	smov.u32 s14;
	s13 =	smov.u32 s15;
	p0 =	sne.s32 s14, $0xF80  }
.Ltmp5:
0x3d: {  	s14 =	sadd.s32 $0x80, s14;
	(pc) =	sbr.rel @p0 .LBB2_7-.Ltmp5, $2  }
0x3e: {  	_ =	sdelay $0x2  }
0x3f: {  	s15 =	sadd.s32 $0x400, s15;
	s16 =	sadd.s32 s16, s12  }
.Ltmp6:
0x40: {  	(pc) =	sbr.rel .LBB2_9-.Ltmp6, $2  }
0x41: {  	_ =	sdelay $0x2  }
0x42: {  	[hbm:s16] =	stream.linear.scatter [tilespmem:s13], [sflag:$0x3], $0x400, $0x38;
	[tilespmem:$0x10200] =	vst v63  }
.LBB2_2:
.Ltmp7:
0x43: {  	(pc) =	sbr.rel .LBB2_10-.Ltmp7, $4  }
0x44: {  	_ = 	snop  }
0x45: {  	s12 =	sshrl.u32 s11, $0x3  }
0x46: {  	s13 =	sand.u32 $0x7, s11;
	s12 =	sadd.s32 s3, s12  }
0x47: {  	[tilespmem:s9], [sflag:$0x2] =	stream.linear.gather [hbm4b:s12+s13], $0x100, $0x38;
	[tilespmem:$0x10200] =	vst v63  }
.LBB2_11:
0x48: {  	s2 =	simm.s32 $0x3  }
0x49: {  	_ =	swait.ge [sflag:s2], $0x8000  }
0x4a: {  	[sflag:s2] =	ssyncset.done $0x0  }
0x4b: {  	[sflag:s2] =	ssyncadd.s32 $0xFFFF8000  }
0x4c: {  	_ =	sfence.sel $0x180000  }
0x4d: {  	s3 =	simm.s32 $0x2;
	[bflag:$0x0] =	sbarrier.arrive $0xFFFF  }
0x4e: {  	[sflag:s3] =	ssyncpa.u1 $0x1  }
0x4f: {  	s31 =	simm.s32 $0x1;
	[sflag:s2] =	ssyncpa.u1 $0x1  }
0x50: {  	[sflag:s31] =	ssyncpa.u1 $0x1  }
0x51: {  	p0 =	sne.s32 s1, $0x0;
	_ =	strace $0x90000047  }
0x52: {  	s0 =	sadd.s32 @!p0 $0x100000, s0;
	[bflag:$0x2] =	sbarrier.arrive $0xFFFF  }
0x53: {  	[sflag:s0] =	ssyncadd.tile.s32 @!p0 $0x1;
	_ =	shalt  }
.Lfunc_end2:
_tile_overlayer_lowered:
.L_overlay_start_2:
0x54: {  	(tag) =	ssettag $0x2  }
0x55: {  	s0 =	rddreg [dreg:$0x0];
	s2 =	stileid.u32  }
0x56: {  	s1 =	rddreg [dreg:$0x1];
	p0 =	sne.s32 s2, $0x0  }
0x57: {  	s3 =	rddreg [dreg:$0x2];
	[bflag:$0x3] =	sbarrier.arrive $0xFFFF;
	s2 =	simm.s32 @!p0 $0x1C01  }
0x58: {  	[timem:s3], [sflag:s2] =	dma.local @!p0 [hbm:s0], s1  }
0x59: {  	s0 =	simm.s32 @!p0 $0x1  }
0x5a: {  	_ =	swait.ge @!p0 [sflag:s0], s1  }
0x5b: {  	s1 =	ssub.s32 @!p0 $0x0, s1;
	[sflag:s0] =	ssyncset.done @!p0 $0x0  }
0x5c: {  	[sflag:s0] =	ssyncadd.s32 @!p0 s1  }
0x5d: {  	[bflag:$0x3] =	sbarrier.arrive $0xFFFF  }
0x5e: {  	_ =	shalt  }

// kernel: kernel.4.cloned.1.call-start
scs
__scs_entry_jumppad:
0x0: {  	(pc) =	sbr.rel $0x88, $3  }
0x1: {  	(tag) =	ssettag $0x0;
	lr =	simm.s32 $0x1  }
0x2: {  	[smem:$0x3F9F] =	sst lr;
	_ =	strace $0xD0000000  }
0x3: {  	_ = 	snop  }
0x4: {  	_ = 	snop  }
0x5: {  	_ = 	snop  }
0x6: {  	_ = 	snop  }
0x7: {  	_ = 	snop  }
__scs_overlays_trampoline_lowered:
0x8: {  	[smem:$0x3FAE] =	sst s0  }
0x9: {  	[smem:$0x3FAF] =	sst s1  }
0xa: {  	[smem:$0x3FB0] =	sst s2  }
0xb: {  	[smem:$0x3FB1] =	sst s3  }
0xc: {  	[smem:$0x3FB2] =	sst s4  }
0xd: {  	[smem:$0x3FB3] =	sst s5  }
0xe: {  	[smem:$0x3FB4] =	sst s6  }
0xf: {  	[smem:$0x3FB5] =	sst s7  }
0x10: {  	[smem:$0x3FB6] =	sst s8  }
0x11: {  	[smem:$0x3FB7] =	sst s9;
	s0 =	simm.s32 @!p0 $0x0  }
0x12: {  	s1 =	sld [smem:$0x3F9D];
	s0 =	simm.s32 @p0 $0x1  }
0x13: {  	[smem:$0x3FB8] =	sst s0;
	s0 =	simm.s32 @!p1 $0x0  }
0x14: {  	s2 =	sld [smem:$0x3F9C];
	s0 =	simm.s32 @p1 $0x1  }
0x15: {  	[smem:$0x3FB9] =	sst s0;
	s0 =	simm.s32 @!p2 $0x0  }
0x16: {  	s3 =	sld [smem:$0x3FDB];
	s0 =	simm.s32 @p2 $0x1  }
0x17: {  	s4 =	simm.s32 $0x1BF5;
	[smem:$0x3FBB] =	sst s0  }
0x18: {  	s0 =	sld [smem:$0x3F9E];
	_ =	swait.ge [sflag:s4], $0x0  }
0x19: {  	s7 =	sld [smem:$0x3F9F]  }
0x1a: {  	s8 =	sadd.s32 $0xFFFFE003, lr  }
0x1b: {  	s9 =	sadd.s32 $0xFFFFFEF7, lr;
	s5 =	simm.s32 $0xFFFFFFFF;
	p2 =	slt.u32 s8, $0xFFFFF086  }
0x1c: {  	p1 =	slt.u32 s9, $0xF7A;
	s5 =	simm.s32 @!p2 $0x0  }
0x1d: {  	s5 =	simm.s32 @p1 $0x1;
	p0 =	seq.s32 s7, s2  }
0x1e: {  	s7 =	smul.u32 @!p0 $0xF7A, s2;
	p2 =	seq.s32 @!p0 s5, $0x0  }
0x1f: {  	s9 =	smul.u32 $0xF7A, s1;
	s8 =	simm.s32 @!p0 $0x1BF5;
	p2 =	por !p2, p0  }
0x20: {  	[sflag:s8] =	ssyncset.s32 @!p0 $0xFFFFF086;
	s6 =	sadd.s32 @!p0 s3, s7;
	s7 =	simm.s32 @!p0 $0x108  }
0x21: {  	s3 =	sadd.s32 s3, s9;
	s6 =	sadd.s32 @!p0 $0x88, s6;
	s7 =	simm.s32 @p2 $0x1082  }
0x22: {  	[simem:s7], [sflag:s8] =	dma.local @!p0 [hbm:s6], $0xF7A  }
0x23: {  	s9 =	sor.u32 $0xD0000000, s2;
	s6 =	simm.s32 $0x108;
	_ =	swait.ge @!p0 [sflag:s8], $0x0  }
0x24: {  	s3 =	sadd.s32 $0x88, s3;
	s6 =	simm.s32 @!p1 $0x1082;
	[sflag:s4] =	ssyncset.s32 $0xFFFFF086  }
0x25: {  	[simem:s6], [sflag:s4] =	dma.local [hbm:s3], $0xF7A  }
0x26: {  	[smem:$0x3F9F] =	sst s1;
	(tag) =	ssettag s2;
	_ =	strace s9  }
0x27: {  	s1 =	sld [smem:$0x3FAF]  }
0x28: {  	s2 =	sld [smem:$0x3FB0]  }
0x29: {  	s4 =	sld [smem:$0x3FB2]  }
0x2a: {  	p0 =	seq.s32 s5, $0x0;
	s5 =	sld [smem:$0x3FB3]  }
0x2b: {  	s6 =	sld [smem:$0x3FB4]  }
0x2c: {  	s7 =	sld [smem:$0x3FB5]  }
0x2d: {  	s3 =	simm.s32 $0x108;
	s8 =	sld [smem:$0x3FB6]  }
0x2e: {  	s3 =	simm.s32 @!p0 $0x1082;
	s9 =	sld [smem:$0x3FB7]  }
0x2f: {  	lr =	sadd.s32 s0, s3;
	s0 =	sld [smem:$0x3FAE]  }
0x30: {  	s3 =	sld [smem:$0x3FB1]  }
0x31: {  	[smem:$0x3FBA] =	sst s10  }
0x32: {  	s10 =	sld [smem:$0x3FB8];
	_ =	sdelay $0x3  }
0x33: {  	p0 =	seq.s32 s10, $0x1;
	s10 =	sld [smem:$0x3FBA];
	_ =	sdelay $0x3  }
0x34: {  	[smem:$0x3FBA] =	sst s10  }
0x35: {  	s10 =	sld [smem:$0x3FB9];
	_ =	sdelay $0x3  }
0x36: {  	p1 =	seq.s32 s10, $0x1;
	s10 =	sld [smem:$0x3FBA];
	_ =	sdelay $0x3  }
0x37: {  	[smem:$0x3FBA] =	sst s10  }
0x38: {  	s10 =	sld [smem:$0x3FBB]  }
0x39: {  	_ = 	snop;
	(pc) =	sbr.ind lr, $3  }
0x3a: {  	_ = 	snop  }
0x3b: {  	_ = 	snop  }
0x3c: {  	p2 =	seq.s32 s10, $0x1;
	s10 =	sld [smem:$0x3FBA]  }
0x3d: {  	_ =	shalt  }
0x3e: {  	_ =	shalt  }
0x3f: {  	_ =	shalt  }
0x40: {  	_ =	shalt  }
0x41: {  	_ =	shalt  }
0x42: {  	_ =	shalt  }
0x43: {  	_ =	shalt  }
0x44: {  	_ =	shalt  }
0x45: {  	_ =	shalt  }
0x46: {  	_ =	shalt  }
0x47: {  	_ =	shalt  }
0x48: {  	_ =	shalt  }
0x49: {  	_ =	shalt  }
0x4a: {  	_ =	shalt  }
0x4b: {  	_ =	shalt  }
0x4c: {  	_ =	shalt  }
0x4d: {  	_ =	shalt  }
0x4e: {  	_ =	shalt  }
0x4f: {  	_ =	shalt  }
0x50: {  	_ =	shalt  }
0x51: {  	_ =	shalt  }
0x52: {  	_ =	shalt  }
0x53: {  	_ =	shalt  }
0x54: {  	_ =	shalt  }
0x55: {  	_ =	shalt  }
0x56: {  	_ =	shalt  }
0x57: {  	_ =	shalt  }
0x58: {  	_ =	shalt  }
0x59: {  	_ =	shalt  }
0x5a: {  	_ =	shalt  }
0x5b: {  	_ =	shalt  }
0x5c: {  	_ =	shalt  }
0x5d: {  	_ =	shalt  }
0x5e: {  	_ =	shalt  }
0x5f: {  	_ =	shalt  }
0x60: {  	_ =	shalt  }
0x61: {  	_ =	shalt  }
0x62: {  	_ =	shalt  }
0x63: {  	_ =	shalt  }
0x64: {  	_ =	shalt  }
0x65: {  	_ =	shalt  }
0x66: {  	_ =	shalt  }
0x67: {  	_ =	shalt  }
0x68: {  	_ =	shalt  }
0x69: {  	_ =	shalt  }
0x6a: {  	_ =	shalt  }
0x6b: {  	_ =	shalt  }
0x6c: {  	_ =	shalt  }
0x6d: {  	_ =	shalt  }
0x6e: {  	_ =	shalt  }
0x6f: {  	_ =	shalt  }
0x70: {  	_ =	shalt  }
0x71: {  	_ =	shalt  }
0x72: {  	_ =	shalt  }
0x73: {  	_ =	shalt  }
0x74: {  	_ =	shalt  }
0x75: {  	_ =	shalt  }
0x76: {  	_ =	shalt  }
0x77: {  	_ =	shalt  }
0x78: {  	_ =	shalt  }
0x79: {  	_ =	shalt  }
0x7a: {  	_ =	shalt  }
0x7b: {  	_ =	shalt  }
0x7c: {  	_ =	shalt  }
0x7d: {  	_ =	shalt  }
0x7e: {  	_ =	shalt  }
0x7f: {  	_ =	shalt  }
0x80: {  	_ =	shalt  }
0x81: {  	_ =	shalt  }
0x82: {  	_ =	shalt  }
0x83: {  	_ =	shalt  }
0x84: {  	_ =	shalt  }
0x85: {  	_ =	shalt  }
0x86: {  	_ =	shalt  }
0x87: {  	_ =	shalt  }
.Lfunc_end0:
.L_simem_size_0:
called_computation.1_lowered:
.L_overlay_start_0:
0x88: {  	s2 =	sld [smem:$0x3FD9]  }
0x89: {  	s3 =	sld [smem:$0x3FFE];
	_ =	sdelay $0x1  }
0x8a: {  	s1 =	srdreg.scid  }
0x8b: {  	s0 =	sand.u32 $0x1, s1  }
0x8c: {  	s17 =	sshll.u32 s0, $0xA;
	s2 =	sadd.s32 s3, s2  }
0x8d: {  	s2 =	sadd.s32 s2, s17  }
0x8e: {  	[smem:$0x3FC6] =	sst s2  }
0x8f: {  	_ = 	snop  }
0x90: {  	s18 =	sld [smem:$0x3FC8];
	(tm) =	ssettm $0x1  }
0x91: {  	s19 =	sld [smem:$0x3FFB];
	_ =	sdelay $0x3  }
0x92: {  	_ =	strace s19  }
0x93: {  	s2 =	sld [smem:$0x3FFC];
	_ =	sdelay $0x3  }
0x94: {  	_ =	strace s2  }
0x95: {  	s2 =	sld [smem:$0x3FFD];
	_ =	sdelay $0x3  }
0x96: {  	_ =	strace s2  }
0x97: {  	_ =	strace $0x8FFFFFFF  }
0x98: {  	s20 =	sld [smem:$0x3FDB];
	_ =	sdelay $0x1  }
0x99: {  	s4 =	simm.s32 $_scs_section_size  }
0x9a: {  	s5 =	simm.s32 $_size__tile_overlayer_lowered;
	s6 =	simm.s32 $_tile_overlayer_lowered  }
0x9b: {  	s7 =	simm.s32 $0x1BFF;
	s21 =	sshll.u32 s6, $0x1;
	s4 =	sadd.s32 s4, s20  }
0x9c: {  	s22 =	simm.s32 $0x0;
	s5 =	sshll.u32 s5, $0x1;
	s6 =	sadd.s32 s21, s4  }
0x9d: {  	[timem:s22], [sflag:s7] =	dma.local [hbm:s6], s5  }
0x9e: {  	_ =	swait.ge [sflag:s7], s5  }
0x9f: {  	s5 =	ssub.s32 $0x0, s5;
	[sflag:s7] =	ssyncset.done $0x0  }
0xa0: {  	[sflag:s7] =	ssyncadd.s32 s5;
	_ =	sdelay $0x1  }
0xa1: {  	s23 =	simm.s32 $0x1B8B  }
0xa2: {  	_ =	swait.ge [sflag:s23], $0x1  }
0xa3: {  	[sflag:s23] =	ssyncset.done $0x0  }
0xa4: {  	[sflag:s23] =	ssyncadd.s32 $0xFFFFFFFF  }
0xa5: {  	s5 =	sld [smem:$0x0]  }
0xa6: {  	s6 =	sand.u32 $0xFFFFFFFE, s1  }
0xa7: {  	p0 =	sne.s32 s1, s6  }
0xa8: {  	s6 =	sshll.u32 @p0 s6, $0xE  }
0xa9: {  	s6 =	sadd.s32 @p0 $0x11B8D, s6;
	s7 =	sshll.u32 @p0 s5, $0x11  }
0xaa: {  	s6 =	sor.u32 @p0 s7, s6  }
0xab: {  	[sflag:s6] =	ssyncadd.remote.s32 @p0 $0x1;
	_ =	sdelay $0x1  }
0xac: {  	s6 =	simm.s32 @p0 $0x1B8D  }
0xad: {  	_ =	swait.eq @p0 [sflag:s6], $0x1  }
0xae: {  	[sflag:s6] =	ssyncadd.s32 @p0 $0xFFFFFFFF  }
0xaf: {  	s7 =	sshll.u32 @!p0 s1, $0xE  }
0xb0: {  	s7 =	sor.u32 @!p0 $0x4000, s7;
	s6 =	simm.s32 @!p0 $0x1B8D  }
0xb1: {  	s5 =	sshll.u32 @!p0 s5, $0x11;
	s7 =	sadd.s32 @!p0 $0x11B8D, s7;
	_ =	swait.eq @!p0 [sflag:s6], $0x1  }
0xb2: {  	s5 =	sor.u32 @!p0 s5, s7;
	[sflag:s6] =	ssyncadd.s32 @!p0 $0xFFFFFFFF  }
0xb3: {  	s25 =	simm.s32 $0x1B8E;
	s24 =	sld [smem:$0x3FFE];
	[sflag:s5] =	ssyncadd.remote.s32 @!p0 $0x1  }
0xb4: {  	s26 =	simm.s32 $execute0_lowered;
	[smem:$0x3FD2] =	sst s25  }
0xb5: {  	s6 =	sshll.u32 s26, $0x1;
	_ =	strace $0x80000049;
	[dreg:$0x1] =	wrdreg $0xFFFFFFFF  }
0xb6: {  	s28 =	simm.s32 $_size_execute0_lowered;
	s4 =	sadd.s32 s4, s6;
	[dreg:$0x0] =	wrdreg $0x0  }
0xb7: {  	s6 =	sshll.u32 s28, $0x1;
	[dreg:$0x2] =	wrdreg s4  }
0xb8: {  	[dreg:$0x3] =	wrdreg s6  }
0xb9: {  	[dreg:$0x4] =	wrdreg $0xC0  }
0xba: {  	_ =	task [dreg:s22], $0x5FFFF  }
0xbb: {  	[dreg:$0x1] =	wrdreg $0xFFFFFFFF  }
0xbc: {  	[dreg:$0x0] =	wrdreg $0x60  }
0xbd: {  	[dreg:$0x2] =	wrdreg s18  }
0xbe: {  	[dreg:$0x3] =	wrdreg s24  }
0xbf: {  	[dreg:$0x4] =	wrdreg $0xA  }
0xc0: {  	_ =	task.clear_ibuf [dreg:s22], $0x5FFFF;
	_ =	strace $0x90000049  }
0xc1: {  	s29 =	simm.s32 $0xA;
	_ =	strace $0x8000004B  }
0xc2: {  	_ =	swait.ge [sflag:s29], $0x1  }
0xc3: {  	[sflag:s29] =	ssyncadd.s32 $0xFFFFFFFF  }
0xc4: {  	_ =	strace $0x9000004B  }
0xc5: {  	_ =	sfence  }
0xc6: {  	s30 =	sld [smem:$0x0];
	_ =	sdelay $0x2  }
0xc7: {  	s31 =	sshll.u32 s1, $0xD;
	s1 =	sshrl.u32 s1, $0x2  }
0xc8: {  	s4 =	sand.u32 $0x4000, s31;
	s1 =	sadd.s32 s1, s30  }
0xc9: {  	s0 =	sor.u32 s4, s0;
	s1 =	sshll.u32 s1, $0x11  }
0xca: {  	s0 =	sor.u32 s1, s0  }
0xcb: {  	s0 =	sadd.s32 $0x8F2B, s0  }
0xcc: {  	[sflag:s0] =	ssyncadd.remote.s32 $0x1  }
0xcd: {  	_ =	sfence.sel $0xFFFF  }
0xce: {  	[dreg:$0x0] =	wrdreg $0xFFFFFFFF;
	(pc) =	sbr.abs _section_cstart, $3  }
0xcf: {  	[dreg:$0x1] =	wrdreg $0xFFFFFFFF  }
0xd0: {  	_ =	task.clear_ibuf [dreg:s22], $0x2FFFF;
	_ =	strace $0x9FFFFFFF  }
0xd1: {  	(tm) =	ssettm $0x7FFFFFFF  }
tec
execute0_lowered:
.L_overlay_start_1:
0x0: {  	(tag) =	ssettag $0x1  }
0x1: {  	s1 =	srdreg.scid  }
0x2: {  	s0 =	stileid.u32;
	s2 =	rddreg [dreg:$0x0]  }
0x3: {  	s5 =	rddreg [dreg:$0x1];
	s19 =	simm.s32 $0x900;
	s20 =	simm.s32 $0x1100  }
0x4: {  	s21 =	simm.s32 $0x1900;
	s23 =	simm.s32 $0x2100;
	s24 =	simm.s32 $0x2900  }
0x5: {  	s25 =	simm.s32 $0x3100;
	s26 =	simm.s32 $0x3900;
	s8 =	simm.s32 $0x4900  }
0x6: {  	s9 =	simm.s32 $0x5100;
	s10 =	simm.s32 $0x5900;
	s11 =	simm.s32 $0x6100  }
0x7: {  	s12 =	simm.s32 $0x6900;
	s13 =	simm.s32 $0x7100;
	s1 =	sand.u32 $0x1, s1  }
0x8: {  	s14 =	simm.s32 $0x7900;
	s3 =	sshll.u32 s0, $0x9;
	s4 =	sshll.u32 s1, $0x8  }
0x9: {  	s15 =	simm.s32 $0x8100;
	s4 =	sor.u32 s4, s3;
	s3 =	simm.s32 $0x0  }
0xa: {  	s16 =	simm.s32 $0x8900;
	s17 =	simm.s32 $0x9100;
	[smem:$0x7FF] =	sst s3  }
0xb: {  	s28 =	simm.s32 $0xE100;
	_ =	strace $0x8000004A;
	[dreg:$0x5] =	wrdreg s19  }
0xc: {  	s29 =	simm.s32 $0xE900;
	s30 =	simm.s32 $0xF100;
	[dreg:$0x6] =	wrdreg s20  }
0xd: {  	s31 =	simm.s32 $0xF900;
	s1 =	ssub.s32 $0x2, s1;
	[dreg:$0x7] =	wrdreg s21  }
0xe: {  	s22 =	sshrl.u32 s1, $0x1;
	s6 =	sshrl.u32 s4, $0x3;
	[dreg:$0x8] =	wrdreg s23  }
0xf: {  	s4 =	sshll.u32 s4, $0x5;
	s1 =	ssub.s32 s1, s22;
	[dreg:$0x9] =	wrdreg s24  }
0x10: {  	s22 =	simm.s32 $0xB900;
	s6 =	sadd.s32 s6, s5;
	[dreg:$0xa] =	wrdreg s25  }
0x11: {  	s4 =	sadd.s32 s4, s5;
	s5 =	simm.s32 $0x2;
	[dreg:$0xb] =	wrdreg s26  }
0x12: {  	s19 =	simm.s32 $0xA100;
	s20 =	simm.s32 $0xA900;
	s21 =	simm.s32 $0xB100  }
0x13: {  	s23 =	simm.s32 $0xC100;
	s24 =	simm.s32 $0xC900;
	s18 =	sadd.s32 $0x20400, s6  }
0x14: {  	v2 =	vlaneseq.u32;
	s25 =	simm.s32 $0xD100;
	s4 =	sadd.s32 $0x40800, s4;
	[dreg:$0x3] =	wrdreg s18  }
0x15: {  	vm0 =	vmmov $0xffff;
	v1 =	vshrl.u32 v2, $0x3;
	s26 =	simm.s32 $0xD900;
	s6 =	simm.s32 $0x100;
	[dreg:$0x4] =	wrdreg s4  }
0x16: {  	v0 =	vand.u32 $0x7, v2;
	v2 =	vor.u32 $0x8, v2;
	v1 =	vmul.u32 $0x8, v1;
	s4 =	smax.u32 s1, $0x1;
	s18 =	simm.s32 $0x9900;
	s1 =	simm.s32 $0x1  }
.LBB2_1:
0x17: {  	s0 =	rddreg [dreg:$0x3]  }
0x18: {  	[tilespmem:s3], [sflag:$0x2] =	stream.linear.gather [hbm4b:s0+s3], $0x100, $0x38;
	[tilespmem:$0x10100] =	vst v63  }
0x19: {  	_ =	swait.ge [sflag:s5], $0x100  }
0x1a: {  	[sflag:s5] =	ssyncset.done $0x0  }
0x1b: {  	[sflag:s5] =	ssyncadd.s32 $0xFFFFFF00  }
0x1c: {  	v3 =	vld [tilespmem:$0x0];
	_ =	sdelay $0x4  }
0x1d: {  	v4 =	vshll.u32 v3, $0x1  }
0x1e: {  	v3 =	vand.u32 $0x7, v3;
	v4 =	vand.u32 $0xFFFFFFF0, v4  }
0x1f: {  	v3 =	vor.u32 v3, v4  }
0x20: {  	v4 =	vperm.xlane v3, v0;
	_ =	sdelay $0x1  }
0x21: {  	v3 =	vperm.xlane v3, v2;
	v4 =	vadd.s32 v1, v4;
	_ =	sdelay $0x1  }
0x22: {  	v3 =	vadd.s32 v1, v3;
	_ =	sdelay $0x2  }
0x23: {  	[tilespmem:s6], [sflag:$0x1] =	stream.indirect_vreg.gather [hbm4b:s2+s3], $0x80, v4, vm0, $0xb8;
	[tilespmem:$0x10100] =	vst v63  }
0x24: {  	s7 =	rddreg [dreg:$0x5]  }
0x25: {  	[tilespmem:s7], [sflag:$0x1] =	stream.indirect_vreg.gather [hbm4b:s2+s3], $0x80, v3, vm0, $0xb8;
	[tilespmem:$0x10100] =	vst v63  }
0x26: {  	v3 =	vld [tilespmem:$0x10];
	_ =	sdelay $0x4  }
0x27: {  	v49 =	vshll.u32 v3, $0x1  }
0x28: {  	v3 =	vand.u32 $0x7, v3;
	v4 =	vand.u32 $0xFFFFFFF0, v49  }
0x29: {  	v3 =	vor.u32 v3, v4  }
0x2a: {  	v4 =	vperm.xlane v3, v0;
	_ =	sdelay $0x1  }
0x2b: {  	v3 =	vperm.xlane v3, v2;
	v4 =	vadd.s32 v1, v4;
	_ =	sdelay $0x1  }
0x2c: {  	v3 =	vadd.s32 v1, v3;
	_ =	sdelay $0x1  }
0x2d: {  	s0 =	rddreg [dreg:$0x6]  }
0x2e: {  	[tilespmem:s0], [sflag:$0x1] =	stream.indirect_vreg.gather [hbm4b:s2+s3], $0x80, v4, vm0, $0xb8;
	[tilespmem:$0x10100] =	vst v63  }
0x2f: {  	s7 =	rddreg [dreg:$0x7]  }
0x30: {  	[tilespmem:s7], [sflag:$0x1] =	stream.indirect_vreg.gather [hbm4b:s2+s3], $0x80, v3, vm0, $0xb8;
	[tilespmem:$0x10100] =	vst v63  }
0x31: {  	v3 =	vld [tilespmem:$0x20];
	_ =	sdelay $0x4  }
0x32: {  	v50 =	vshll.u32 v3, $0x1  }
0x33: {  	v3 =	vand.u32 $0x7, v3;
	v4 =	vand.u32 $0xFFFFFFF0, v50  }
0x34: {  	v3 =	vor.u32 v3, v4  }
0x35: {  	v4 =	vperm.xlane v3, v0;
	_ =	sdelay $0x1  }
0x36: {  	v3 =	vperm.xlane v3, v2;
	v4 =	vadd.s32 v1, v4;
	_ =	sdelay $0x1  }
0x37: {  	v3 =	vadd.s32 v1, v3;
	_ =	sdelay $0x1  }
0x38: {  	s0 =	rddreg [dreg:$0x8]  }
0x39: {  	[tilespmem:s0], [sflag:$0x1] =	stream.indirect_vreg.gather [hbm4b:s2+s3], $0x80, v4, vm0, $0xb8;
	[tilespmem:$0x10100] =	vst v63  }
0x3a: {  	s7 =	rddreg [dreg:$0x9]  }
0x3b: {  	[tilespmem:s7], [sflag:$0x1] =	stream.indirect_vreg.gather [hbm4b:s2+s3], $0x80, v3, vm0, $0xb8;
	[tilespmem:$0x10100] =	vst v63  }
0x3c: {  	v3 =	vld [tilespmem:$0x30];
	_ =	sdelay $0x4  }
0x3d: {  	v51 =	vshll.u32 v3, $0x1  }
0x3e: {  	v3 =	vand.u32 $0x7, v3;
	v4 =	vand.u32 $0xFFFFFFF0, v51  }
0x3f: {  	v3 =	vor.u32 v3, v4  }
0x40: {  	v4 =	vperm.xlane v3, v0;
	_ =	sdelay $0x1  }
0x41: {  	v3 =	vperm.xlane v3, v2;
	v4 =	vadd.s32 v1, v4;
	_ =	sdelay $0x1  }
0x42: {  	v3 =	vadd.s32 v1, v3;
	_ =	sdelay $0x1  }
0x43: {  	s0 =	rddreg [dreg:$0xa]  }
0x44: {  	[tilespmem:s0], [sflag:$0x1] =	stream.indirect_vreg.gather [hbm4b:s2+s3], $0x80, v4, vm0, $0xb8;
	[tilespmem:$0x10100] =	vst v63  }
0x45: {  	s7 =	rddreg [dreg:$0xb]  }
0x46: {  	[tilespmem:s7], [sflag:$0x1] =	stream.indirect_vreg.gather [hbm4b:s2+s3], $0x80, v3, vm0, $0xb8;
	[tilespmem:$0x10100] =	vst v63  }
0x47: {  	v3 =	vld [tilespmem:$0x40];
	_ =	sdelay $0x4  }
0x48: {  	v52 =	vshll.u32 v3, $0x1  }
0x49: {  	v3 =	vand.u32 $0x7, v3;
	v4 =	vand.u32 $0xFFFFFFF0, v52  }
0x4a: {  	v3 =	vor.u32 v3, v4  }
0x4b: {  	v4 =	vperm.xlane v3, v0;
	_ =	sdelay $0x1  }
0x4c: {  	v3 =	vperm.xlane v3, v2;
	v4 =	vadd.s32 v1, v4;
	_ =	sdelay $0x1  }
0x4d: {  	v3 =	vadd.s32 v1, v3;
	_ =	sdelay $0x1  }
0x4e: {  	s7 =	simm.s32 $0x4100  }
0x4f: {  	[tilespmem:s7], [sflag:$0x1] =	stream.indirect_vreg.gather [hbm4b:s2+s3], $0x80, v4, vm0, $0xb8;
	[tilespmem:$0x10100] =	vst v63  }
0x50: {  	_ = 	snop  }
0x51: {  	[tilespmem:s8], [sflag:$0x1] =	stream.indirect_vreg.gather [hbm4b:s2+s3], $0x80, v3, vm0, $0xb8;
	[tilespmem:$0x10100] =	vst v63  }
0x52: {  	v3 =	vld [tilespmem:$0x50];
	_ =	sdelay $0x4  }
0x53: {  	v53 =	vshll.u32 v3, $0x1  }
0x54: {  	v3 =	vand.u32 $0x7, v3;
	v4 =	vand.u32 $0xFFFFFFF0, v53  }
0x55: {  	v3 =	vor.u32 v3, v4  }
0x56: {  	v4 =	vperm.xlane v3, v0;
	_ =	sdelay $0x1  }
0x57: {  	v3 =	vperm.xlane v3, v2;
	v4 =	vadd.s32 v1, v4;
	_ =	sdelay $0x1  }
0x58: {  	v3 =	vadd.s32 v1, v3;
	_ =	sdelay $0x2  }
0x59: {  	[tilespmem:s9], [sflag:$0x1] =	stream.indirect_vreg.gather [hbm4b:s2+s3], $0x80, v4, vm0, $0xb8;
	[tilespmem:$0x10100] =	vst v63  }
0x5a: {  	_ = 	snop  }
0x5b: {  	[tilespmem:s10], [sflag:$0x1] =	stream.indirect_vreg.gather [hbm4b:s2+s3], $0x80, v3, vm0, $0xb8;
	[tilespmem:$0x10100] =	vst v63  }
0x5c: {  	v3 =	vld [tilespmem:$0x60];
	_ =	sdelay $0x4  }
0x5d: {  	v54 =	vshll.u32 v3, $0x1  }
0x5e: {  	v3 =	vand.u32 $0x7, v3;
	v4 =	vand.u32 $0xFFFFFFF0, v54  }
0x5f: {  	v3 =	vor.u32 v3, v4  }
0x60: {  	v4 =	vperm.xlane v3, v0;
	_ =	sdelay $0x1  }
0x61: {  	v3 =	vperm.xlane v3, v2;
	v4 =	vadd.s32 v1, v4;
	_ =	sdelay $0x1  }
0x62: {  	v3 =	vadd.s32 v1, v3;
	_ =	sdelay $0x2  }
0x63: {  	[tilespmem:s11], [sflag:$0x1] =	stream.indirect_vreg.gather [hbm4b:s2+s3], $0x80, v4, vm0, $0xb8;
	[tilespmem:$0x10100] =	vst v63  }
0x64: {  	_ = 	snop  }
0x65: {  	[tilespmem:s12], [sflag:$0x1] =	stream.indirect_vreg.gather [hbm4b:s2+s3], $0x80, v3, vm0, $0xb8;
	[tilespmem:$0x10100] =	vst v63  }
0x66: {  	v3 =	vld [tilespmem:$0x70];
	_ =	sdelay $0x4  }
0x67: {  	v55 =	vshll.u32 v3, $0x1  }
0x68: {  	v3 =	vand.u32 $0x7, v3;
	v4 =	vand.u32 $0xFFFFFFF0, v55  }
0x69: {  	v3 =	vor.u32 v3, v4  }
0x6a: {  	v4 =	vperm.xlane v3, v0;
	_ =	sdelay $0x1  }
0x6b: {  	v3 =	vperm.xlane v3, v2;
	v4 =	vadd.s32 v1, v4;
	_ =	sdelay $0x1  }
0x6c: {  	v3 =	vadd.s32 v1, v3;
	_ =	sdelay $0x2  }
0x6d: {  	[tilespmem:s13], [sflag:$0x1] =	stream.indirect_vreg.gather [hbm4b:s2+s3], $0x80, v4, vm0, $0xb8;
	[tilespmem:$0x10100] =	vst v63  }
0x6e: {  	_ = 	snop  }
0x6f: {  	[tilespmem:s14], [sflag:$0x1] =	stream.indirect_vreg.gather [hbm4b:s2+s3], $0x80, v3, vm0, $0xb8;
	[tilespmem:$0x10100] =	vst v63  }
0x70: {  	v3 =	vld [tilespmem:$0x80];
	_ =	sdelay $0x4  }
0x71: {  	v56 =	vshll.u32 v3, $0x1  }
0x72: {  	v3 =	vand.u32 $0x7, v3;
	v4 =	vand.u32 $0xFFFFFFF0, v56  }
0x73: {  	v3 =	vor.u32 v3, v4  }
0x74: {  	v4 =	vperm.xlane v3, v0;
	_ =	sdelay $0x1  }
0x75: {  	v3 =	vperm.xlane v3, v2;
	v4 =	vadd.s32 v1, v4;
	_ =	sdelay $0x1  }
0x76: {  	v3 =	vadd.s32 v1, v3;
	_ =	sdelay $0x2  }
0x77: {  	[tilespmem:s15], [sflag:$0x1] =	stream.indirect_vreg.gather [hbm4b:s2+s3], $0x80, v4, vm0, $0xb8;
	[tilespmem:$0x10100] =	vst v63  }
0x78: {  	_ = 	snop  }
0x79: {  	[tilespmem:s16], [sflag:$0x1] =	stream.indirect_vreg.gather [hbm4b:s2+s3], $0x80, v3, vm0, $0xb8;
	[tilespmem:$0x10100] =	vst v63  }
0x7a: {  	v3 =	vld [tilespmem:$0x90];
	_ =	sdelay $0x4  }
0x7b: {  	v57 =	vshll.u32 v3, $0x1  }
0x7c: {  	v3 =	vand.u32 $0x7, v3;
	v4 =	vand.u32 $0xFFFFFFF0, v57  }
0x7d: {  	v3 =	vor.u32 v3, v4  }
0x7e: {  	v4 =	vperm.xlane v3, v0;
	_ =	sdelay $0x1  }
0x7f: {  	v3 =	vperm.xlane v3, v2;
	v4 =	vadd.s32 v1, v4;
	_ =	sdelay $0x1  }
0x80: {  	v3 =	vadd.s32 v1, v3;
	_ =	sdelay $0x2  }
0x81: {  	[tilespmem:s17], [sflag:$0x1] =	stream.indirect_vreg.gather [hbm4b:s2+s3], $0x80, v4, vm0, $0xb8;
	[tilespmem:$0x10100] =	vst v63  }
0x82: {  	_ = 	snop  }
0x83: {  	[tilespmem:s18], [sflag:$0x1] =	stream.indirect_vreg.gather [hbm4b:s2+s3], $0x80, v3, vm0, $0xb8;
	[tilespmem:$0x10100] =	vst v63  }
0x84: {  	v3 =	vld [tilespmem:$0xA0];
	_ =	sdelay $0x4  }
0x85: {  	v58 =	vshll.u32 v3, $0x1  }
0x86: {  	v3 =	vand.u32 $0x7, v3;
	v4 =	vand.u32 $0xFFFFFFF0, v58  }
0x87: {  	v3 =	vor.u32 v3, v4  }
0x88: {  	v4 =	vperm.xlane v3, v0;
	_ =	sdelay $0x1  }
0x89: {  	v3 =	vperm.xlane v3, v2;
	v4 =	vadd.s32 v1, v4;
	_ =	sdelay $0x1  }
0x8a: {  	v3 =	vadd.s32 v1, v3;
	_ =	sdelay $0x2  }
0x8b: {  	[tilespmem:s19], [sflag:$0x1] =	stream.indirect_vreg.gather [hbm4b:s2+s3], $0x80, v4, vm0, $0xb8;
	[tilespmem:$0x10100] =	vst v63  }
0x8c: {  	_ = 	snop  }
0x8d: {  	[tilespmem:s20], [sflag:$0x1] =	stream.indirect_vreg.gather [hbm4b:s2+s3], $0x80, v3, vm0, $0xb8;
	[tilespmem:$0x10100] =	vst v63  }
0x8e: {  	v3 =	vld [tilespmem:$0xB0];
	_ =	sdelay $0x4  }
0x8f: {  	v59 =	vshll.u32 v3, $0x1  }
0x90: {  	v3 =	vand.u32 $0x7, v3;
	v4 =	vand.u32 $0xFFFFFFF0, v59  }
0x91: {  	v3 =	vor.u32 v3, v4  }
0x92: {  	v4 =	vperm.xlane v3, v0;
	_ =	sdelay $0x1  }
0x93: {  	v3 =	vperm.xlane v3, v2;
	v4 =	vadd.s32 v1, v4;
	_ =	sdelay $0x1  }
0x94: {  	v3 =	vadd.s32 v1, v3;
	_ =	sdelay $0x2  }
0x95: {  	[tilespmem:s21], [sflag:$0x1] =	stream.indirect_vreg.gather [hbm4b:s2+s3], $0x80, v4, vm0, $0xb8;
	[tilespmem:$0x10100] =	vst v63  }
0x96: {  	_ = 	snop  }
0x97: {  	[tilespmem:s22], [sflag:$0x1] =	stream.indirect_vreg.gather [hbm4b:s2+s3], $0x80, v3, vm0, $0xb8;
	[tilespmem:$0x10100] =	vst v63  }
0x98: {  	v3 =	vld [tilespmem:$0xC0];
	_ =	sdelay $0x4  }
0x99: {  	v60 =	vshll.u32 v3, $0x1  }
0x9a: {  	v3 =	vand.u32 $0x7, v3;
	v4 =	vand.u32 $0xFFFFFFF0, v60  }
0x9b: {  	v3 =	vor.u32 v3, v4  }
0x9c: {  	v4 =	vperm.xlane v3, v0;
	_ =	sdelay $0x1  }
0x9d: {  	v3 =	vperm.xlane v3, v2;
	v4 =	vadd.s32 v1, v4;
	_ =	sdelay $0x1  }
0x9e: {  	v3 =	vadd.s32 v1, v3;
	_ =	sdelay $0x2  }
0x9f: {  	[tilespmem:s23], [sflag:$0x1] =	stream.indirect_vreg.gather [hbm4b:s2+s3], $0x80, v4, vm0, $0xb8;
	[tilespmem:$0x10100] =	vst v63  }
0xa0: {  	_ = 	snop  }
0xa1: {  	[tilespmem:s24], [sflag:$0x1] =	stream.indirect_vreg.gather [hbm4b:s2+s3], $0x80, v3, vm0, $0xb8;
	[tilespmem:$0x10100] =	vst v63  }
0xa2: {  	v3 =	vld [tilespmem:$0xD0];
	_ =	sdelay $0x4  }
0xa3: {  	v61 =	vshll.u32 v3, $0x1  }
0xa4: {  	v3 =	vand.u32 $0x7, v3;
	v4 =	vand.u32 $0xFFFFFFF0, v61  }
0xa5: {  	v3 =	vor.u32 v3, v4  }
0xa6: {  	v4 =	vperm.xlane v3, v0;
	_ =	sdelay $0x1  }
0xa7: {  	v3 =	vperm.xlane v3, v2;
	v4 =	vadd.s32 v1, v4;
	_ =	sdelay $0x1  }
0xa8: {  	v3 =	vadd.s32 v1, v3;
	_ =	sdelay $0x2  }
0xa9: {  	[tilespmem:s25], [sflag:$0x1] =	stream.indirect_vreg.gather [hbm4b:s2+s3], $0x80, v4, vm0, $0xb8;
	[tilespmem:$0x10100] =	vst v63  }
0xaa: {  	_ = 	snop  }
0xab: {  	[tilespmem:s26], [sflag:$0x1] =	stream.indirect_vreg.gather [hbm4b:s2+s3], $0x80, v3, vm0, $0xb8;
	[tilespmem:$0x10100] =	vst v63  }
0xac: {  	v3 =	vld [tilespmem:$0xE0];
	_ =	sdelay $0x4  }
0xad: {  	v62 =	vshll.u32 v3, $0x1  }
0xae: {  	v3 =	vand.u32 $0x7, v3;
	v4 =	vand.u32 $0xFFFFFFF0, v62  }
0xaf: {  	v3 =	vor.u32 v3, v4  }
0xb0: {  	v4 =	vperm.xlane v3, v0;
	_ =	sdelay $0x1  }
0xb1: {  	v3 =	vperm.xlane v3, v2;
	v4 =	vadd.s32 v1, v4;
	_ =	sdelay $0x1  }
0xb2: {  	v3 =	vadd.s32 v1, v3;
	_ =	sdelay $0x2  }
0xb3: {  	[tilespmem:s28], [sflag:$0x1] =	stream.indirect_vreg.gather [hbm4b:s2+s3], $0x80, v4, vm0, $0xb8;
	[tilespmem:$0x10100] =	vst v63  }
0xb4: {  	_ = 	snop  }
0xb5: {  	[tilespmem:s29], [sflag:$0x1] =	stream.indirect_vreg.gather [hbm4b:s2+s3], $0x80, v3, vm0, $0xb8;
	[tilespmem:$0x10100] =	vst v63  }
0xb6: {  	v3 =	vld [tilespmem:$0xF0];
	_ =	sdelay $0x4  }
0xb7: {  	v63 =	vshll.u32 v3, $0x1  }
0xb8: {  	v3 =	vand.u32 $0x7, v3;
	v4 =	vand.u32 $0xFFFFFFF0, v63  }
0xb9: {  	v3 =	vor.u32 v3, v4  }
0xba: {  	v4 =	vperm.xlane v3, v0;
	_ =	sdelay $0x1  }
0xbb: {  	v3 =	vperm.xlane v3, v2;
	v4 =	vadd.s32 v1, v4;
	_ =	sdelay $0x1  }
0xbc: {  	v3 =	vadd.s32 v1, v3;
	_ =	sdelay $0x2  }
0xbd: {  	[tilespmem:s30], [sflag:$0x1] =	stream.indirect_vreg.gather [hbm4b:s2+s3], $0x80, v4, vm0, $0xb8;
	[tilespmem:$0x10100] =	vst v63  }
0xbe: {  	_ = 	snop  }
0xbf: {  	[tilespmem:s31], [sflag:$0x1] =	stream.indirect_vreg.gather [hbm4b:s2+s3], $0x80, v3, vm0, $0xb8;
	[tilespmem:$0x10100] =	vst v63  }
0xc0: {  	_ =	swait.ge [sflag:s1], $0x10000  }
0xc1: {  	p0 =	sne.s32 s4, $0x1;
	[sflag:s1] =	ssyncset.done $0x0  }
.Ltmp0:
0xc2: {  	s7 =	rddreg [dreg:$0x4];
	[sflag:s1] =	ssyncadd.s32 $0xFFFF0000;
	(pc) =	sbr.rel @p0 .LBB2_1-.Ltmp0, $4  }
0xc3: {  	[hbm4b:s7+s3] =	stream.linear.scatter [tilespmem:s6], [sflag:$0x2], $0x10000, $0x38;
	[tilespmem:$0x10100] =	vst v63  }
0xc4: {  	_ =	swait.ge [sflag:s5], $0x10000  }
0xc5: {  	[sflag:s5] =	ssyncset.done $0x0  }
0xc6: {  	s4 =	sadd.s32 $0xFFFFFFFF, s4;
	[sflag:s5] =	ssyncadd.s32 $0xFFFF0000  }
0xc7: {  	_ =	sfence.sel $0x180000  }
0xc8: {  	[bflag:$0x0] =	sbarrier.arrive $0xFFFF  }
0xc9: {  	_ =	strace $0x9000004A  }
0xca: {  	s0 =	stileid.u32;
	[bflag:$0x2] =	sbarrier.arrive $0xFFFF  }
0xcb: {  	p0 =	sne.s32 s0, $0x0;
	s0 =	rddreg [dreg:$0x2]  }
0xcc: {  	s0 =	sadd.s32 @!p0 $0x100000, s0  }
0xcd: {  	[sflag:s0] =	ssyncadd.tile.s32 @!p0 $0x1;
	_ =	shalt  }
.Lfunc_end2:
_tile_overlayer_lowered:
.L_overlay_start_2:
0xce: {  	(tag) =	ssettag $0x2  }
0xcf: {  	s0 =	rddreg [dreg:$0x0];
	s2 =	stileid.u32  }
0xd0: {  	s1 =	rddreg [dreg:$0x1];
	p0 =	sne.s32 s2, $0x0  }
0xd1: {  	s3 =	rddreg [dreg:$0x2];
	[bflag:$0x3] =	sbarrier.arrive $0xFFFF;
	s2 =	simm.s32 @!p0 $0x1C02  }
0xd2: {  	[timem:s3], [sflag:s2] =	dma.local @!p0 [hbm:s0], s1  }
0xd3: {  	s0 =	simm.s32 @!p0 $0x2  }
0xd4: {  	_ =	swait.ge @!p0 [sflag:s0], s1  }
0xd5: {  	s1 =	ssub.s32 @!p0 $0x0, s1;
	[sflag:s0] =	ssyncset.done @!p0 $0x0  }
0xd6: {  	[sflag:s0] =	ssyncadd.s32 @!p0 s1  }
0xd7: {  	[bflag:$0x3] =	sbarrier.arrive $0xFFFF  }
0xd8: {  	_ =	shalt  }

</sc_bundles>
